<compile_context>
chip_gen: v7x
topology: tpu7x:2x2x1
jax: 0.10.2.dev20260603
libtpu: 0.0.44.dev20260713+nightly
codegen_flags: <defaults>
</compile_context>

<pallas_src>
import functools

import jax
import jax.numpy as jnp
from jax import lax
from jax.experimental import pallas as pl
from jax.experimental.pallas import tpu as pltpu
from jax.experimental.pallas import tpu_sc as plsc

_N = 10000
_E = 320000
_D = 128
_NCORE = 2
_NSUB = 16
_NW = _NCORE * _NSUB
_CH = 128
_NCH = 80
_EPW = _CH * _NCH
_EPAD = _NW * _EPW
_NPAD = 10112
_RPT = _NPAD // _NSUB


def _seg_sum_sc(h, src_r, dst_r):
    mesh = plsc.VectorSubcoreMesh(core_axis_name="c", subcore_axis_name="s")

    @functools.partial(
        pl.kernel,
        mesh=mesh,
        out_type=jax.ShapeDtypeStruct((_NCORE, _NPAD, _D), jnp.float32),
        scratch_types=[
            pltpu.VMEM((_NCH, _CH), jnp.int32),
            pltpu.VMEM((_NCH, _CH), jnp.int32),
            pltpu.VMEM((_CH, _D), jnp.float32),
            pltpu.VMEM_SHARED((_NPAD, _D), jnp.float32),
            pltpu.SemaphoreType.DMA,
        ],
    )
    def seg_kernel(h_hbm, src_hbm, dst_hbm, out_hbm, srcv, dstv, rows, acc, gsem):
        cid = lax.axis_index("c")
        sid = lax.axis_index("s")
        wid = sid * _NCORE + cid

        def zrow(i, carry):
            for j in range(_D // 16):
                rows[i, pl.ds(16 * j, 16)] = jnp.zeros((16,), jnp.float32)
            return carry

        lax.fori_loop(0, _CH, zrow, 0)
        base = sid * _RPT
        for k in range(_RPT // _CH):
            pltpu.sync_copy(rows, acc.at[pl.ds(base + k * _CH, _CH)])
        rem = _RPT % _CH
        if rem:
            pltpu.sync_copy(rows.at[pl.ds(0, rem)],
                            acc.at[pl.ds(base + (_RPT // _CH) * _CH, rem)])
        plsc.subcore_barrier()

        pltpu.sync_copy(src_hbm.at[wid], srcv)
        pltpu.sync_copy(dst_hbm.at[wid], dstv)

        def body(j, carry):
            pltpu.async_copy(h_hbm.at[srcv.at[j]], rows, gsem).wait()
            pltpu.sync_copy(rows, acc.at[dstv.at[j]], add=True)
            return carry

        lax.fori_loop(0, _NCH, body, 0)
        plsc.subcore_barrier()

        pltpu.sync_copy(acc.at[pl.ds(base, _RPT)],
                        out_hbm.at[cid, pl.ds(base, _RPT)])

    return seg_kernel(h, src_r, dst_r)


_BM = 2000


def _full(shape):
    return pl.BlockSpec(shape, lambda i: (0, 0))


def _pre_tc(x, w, b):
    def body(x_ref, w_ref, b_ref, o_ref):
        o_ref[...] = (
            jnp.dot(x_ref[...], w_ref[...], preferred_element_type=jnp.float32)
            + b_ref[...]
        )

    return pl.pallas_call(
        body,
        grid=(_N // _BM,),
        in_specs=[
            pl.BlockSpec((_BM, _D), lambda i: (i, 0)),
            _full((_D, _D)),
            _full((1, _D)),
        ],
        out_specs=pl.BlockSpec((_BM, _D), lambda i: (i, 0)),
        out_shape=jax.ShapeDtypeStruct((_N, _D), jnp.float32),
    )(x, w, b.reshape(1, _D))


def _mlp_tc(h, agg, w1, b1, w2, b2):
    def body(h_ref, a0_ref, a1_ref, w1_ref, b1_ref, w2_ref, b2_ref, o_ref):
        z = h_ref[...] + a0_ref[...] + a1_ref[...]
        z = jnp.maximum(
            jnp.dot(z, w1_ref[...], preferred_element_type=jnp.float32)
            + b1_ref[...],
            0.0,
        )
        z = (
            jnp.dot(z, w2_ref[...], preferred_element_type=jnp.float32)
            + b2_ref[...]
        )
        o_ref[...] = jnp.maximum(z, 0.0)

    return pl.pallas_call(
        body,
        grid=(_N // _BM,),
        in_specs=[
            pl.BlockSpec((_BM, _D), lambda i: (i, 0)),
            pl.BlockSpec((_BM, _D), lambda i: (i, 0)),
            pl.BlockSpec((_BM, _D), lambda i: (i, 0)),
            _full((_D, _D)),
            _full((1, _D)),
            _full((_D, _D)),
            _full((1, _D)),
        ],
        out_specs=pl.BlockSpec((_BM, _D), lambda i: (i, 0)),
        out_shape=jax.ShapeDtypeStruct((_N, _D), jnp.float32),
    )(h, agg[0], agg[1], w1, b1.reshape(1, _D), w2, b2.reshape(1, _D))


def _post_tc(h, wp, bp, wr_pad, br_pad):
    def body(h_ref, wp_ref, bp_ref, wr_ref, br_ref, o_ref):
        t = jnp.maximum(
            jnp.dot(h_ref[...], wp_ref[...], preferred_element_type=jnp.float32)
            + bp_ref[...],
            0.0,
        )
        z = (
            jnp.dot(t, wr_ref[...], preferred_element_type=jnp.float32)
            + br_ref[...]
        )
        m = jnp.max(z, axis=1, keepdims=True)
        lse = jnp.log(jnp.sum(jnp.exp(z - m), axis=1, keepdims=True)) + m
        o_ref[...] = z - lse

    return pl.pallas_call(
        body,
        grid=(_N // _BM,),
        in_specs=[
            pl.BlockSpec((_BM, _D), lambda i: (i, 0)),
            _full((_D, _D)),
            _full((1, _D)),
            _full((_D, _D)),
            _full((1, _D)),
        ],
        out_specs=pl.BlockSpec((_BM, _D), lambda i: (i, 0)),
        out_shape=jax.ShapeDtypeStruct((_N, _D), jnp.float32),
    )(h, wp, bp.reshape(1, _D), wr_pad, br_pad)


def kernel(x, edge_index, W_pre, b_pre, W1s, b1s, W2s, b2s, W_post, b_post,
           W_ro, b_ro):
    src = edge_index[0]
    dst = edge_index[1]
    npad = _EPAD - _E
    src_r = jnp.concatenate([src, jnp.zeros((npad,), jnp.int32)]).reshape(
        _NW, _NCH, _CH)
    dst_r = jnp.concatenate([dst, jnp.full((npad,), _N, jnp.int32)]).reshape(
        _NW, _NCH, _CH)

    h = _pre_tc(x, W_pre, b_pre)
    for l in range(3):
        agg = _seg_sum_sc(h, src_r, dst_r)
        h = _mlp_tc(h, agg, W1s[l], b1s[l], W2s[l], b2s[l])

    nclass = W_ro.shape[1]
    wr_pad = jnp.zeros((_D, _D), jnp.float32).at[:, :nclass].set(W_ro)
    br_pad = jnp.full((1, _D), -1e30, jnp.float32).at[0, :nclass].set(b_ro)
    out = _post_tc(h, W_post, b_post, wr_pad, br_pad)[:, :nclass]
    return (out, h, h)

# --- scband reference (transcript-rebuilt; emitter-appended) ---
"""Pipeline reference for scband-gin-35485019799983 (READ-ONLY COPY).

The authoritative reference and input builder live on the scoring server;
editing this copy changes nothing except your own understanding.
"""

import jax, jax.numpy as jnp
import numpy as np

N = 10000
E = 320000
NFEAT = 128
NHID = 128
NCLASS = 40
NLAYER = 3

def _lin(k, fan_in, fan_out):
    bound = 1.0 / np.sqrt(fan_in)
    kw, kb = jax.random.split(k)
    W = jax.random.uniform(kw, (fan_in, fan_out), minval=-bound, maxval=bound, dtype=jnp.float32)
    b = jax.random.uniform(kb, (fan_out,), minval=-bound, maxval=bound, dtype=jnp.float32)
    return W, b

def setup_inputs(seed: int = 0) -> dict:
    key = jax.random.key(seed)
    ks = jax.random.split(key, 6 + 2 * NLAYER)
    x = jax.random.normal(ks[0], (N, NFEAT), dtype=jnp.float32)
    edge_index = jax.random.randint(ks[1], (2, E), 0, N, dtype=jnp.int32)
    W_pre, b_pre = _lin(ks[2], NFEAT, NHID)
    W1_list, b1_list, W2_list, b2_list = [], [], [], []
    for l in range(NLAYER):
        W1, b1 = _lin(ks[3 + 2 * l], NHID, NHID)
        W2, b2 = _lin(ks[4 + 2 * l], NHID, NHID)
        W1_list.append(W1); b1_list.append(b1); W2_list.append(W2); b2_list.append(b2)
    W1s = jnp.stack(W1_list); b1s = jnp.stack(b1_list)
    W2s = jnp.stack(W2_list); b2s = jnp.stack(b2_list)
    W_post, b_post = _lin(ks[3 + 2 * NLAYER], NHID, NHID)
    W_ro, b_ro = _lin(ks[4 + 2 * NLAYER], NHID, NCLASS)
    return {"x": x, "edge_index": edge_index, "W_pre": W_pre, "b_pre": b_pre,
            "W1s": W1s, "b1s": b1s, "W2s": W2s, "b2s": b2s,
            "W_post": W_post, "b_post": b_post, "W_ro": W_ro, "b_ro": b_ro}

def reference(x, edge_index, W_pre, b_pre, W1s, b1s, W2s, b2s, W_post, b_post, W_ro, b_ro):
    # pre-MLP
    h = x @ W_pre + b_pre
    src = edge_index[0]
    dst = edge_index[1]
    # GINConv layers: out = MLP((1+eps)*x + sum_{j->i} x_j), eps=0 default
    for l in range(NLAYER):
        agg = jax.ops.segment_sum(h[src], dst, num_segments=N)
        z = h + agg
        z = jnp.maximum(z @ W1s[l] + b1s[l], 0.0) @ W2s[l] + b2s[l]
        h = jnp.maximum(z, 0.0)  # F.relu after conv; dropout inactive (eval / p=0)
    x2 = h
    x1 = h
    out = jnp.maximum(h @ W_post + b_post, 0.0)
    out = out @ W_ro + b_ro
    out = jax.nn.log_softmax(out, axis=1)
    return (out, x1, x2)

if __name__ == "__main__":
    import jax
    _d = setup_inputs()
    print(jax.jit(kernel)(*tuple(_d.values())))

</pallas_src>

<mosaic_0001>
#map = affine_map<(d0, d1) -> (0, 0)>
#map1 = affine_map<(d0, d1) -> (0, 0, 0)>
module attributes {stable_mosaic.version = 14 : i64} {
  func.func @seg_kernel(%arg0: i32, %arg1: i32, %arg2: memref<10000x128xf32, #tpu.memory_space<hbm>>, %arg3: memref<32x80x128xi32, #tpu.memory_space<hbm>>, %arg4: memref<32x80x128xi32, #tpu.memory_space<hbm>>, %arg5: memref<2x10112x128xf32, #tpu.memory_space<hbm>>, %arg6: memref<80x128xi32, #tpu.memory_space<vmem>>, %arg7: memref<80x128xi32, #tpu.memory_space<vmem>>, %arg8: memref<128x128xf32, #tpu.memory_space<vmem>>, %arg9: memref<10112x128xf32, #tpu.memory_space<vmem_shared>>, %arg10: memref<!tpu.dma_semaphore, #tpu.memory_space<semaphore_mem>>) attributes {dimension_semantics = [#tpu.dimension_semantics<core_parallel>, #tpu.dimension_semantics<subcore_parallel>], iteration_bounds = array<i64: 2, 16>, scalar_prefetch = 0 : i64, scratch_operands = 5 : i64, tpu.core_type = #tpu.core_type<sc_vector_subcore>, window_params = [{transform_indices = #map}, {transform_indices = #map1}, {transform_indices = #map1}, {transform_indices = #map1}]} {
    %mul3A = arith.constant 2 : i32
    %mul3A_0 = arith.muli %arg1, %mul3A : i32
    %add3A = arith.addi %mul3A_0, %arg0 : i32
    %scan3A = arith.constant 0 : i32
    %scan3A_1 = arith.constant 0 : i32
    %scan3A_2 = arith.constant 128 : i32
    %scan3A_3 = arith.addi %scan3A_1, %scan3A_2 : i32
    %scan3A_4 = arith.constant 1 : i32
    scf.for %scan3A_25 = %scan3A_1 to %scan3A_3 step %scan3A_4  : i32 {
      %broadcast_in_dim3A = arith.constant 0.000000e+00 : f32
      %broadcast_in_dim3A_26 = vector.broadcast %broadcast_in_dim3A : f32 to vector<16xf32>
      %swap3A = arith.index_cast %scan3A_25 : i32 to index
      %swap3A_27 = arith.constant 0 : index
      %swap3A_28 = tpu.vector_load %arg8[%swap3A, %swap3A_27] {strides = array<i32>} : memref<128x128xf32, #tpu.memory_space<vmem>>, vector<1x16xf32>,
      %swap3A_29 = vector.shape_cast %swap3A_28 : vector<1x16xf32> to vector<16xf32>
      %swap3A_30 = vector.shape_cast %broadcast_in_dim3A_26 : vector<16xf32> to vector<1x16xf32>
      tpu.vector_store %arg8[%swap3A, %swap3A_27], %swap3A_30 {strides = array<i32>} : memref<128x128xf32, #tpu.memory_space<vmem>>, vector<1x16xf32>,
      %broadcast_in_dim3A_31 = arith.constant 0.000000e+00 : f32
      %broadcast_in_dim3A_32 = vector.broadcast %broadcast_in_dim3A_31 : f32 to vector<16xf32>
      %swap3A_33 = arith.index_cast %scan3A_25 : i32 to index
      %swap3A_34 = arith.constant 16 : index
      %swap3A_35 = tpu.vector_load %arg8[%swap3A_33, %swap3A_34] {strides = array<i32>} : memref<128x128xf32, #tpu.memory_space<vmem>>, vector<1x16xf32>,
      %swap3A_36 = vector.shape_cast %swap3A_35 : vector<1x16xf32> to vector<16xf32>
      %swap3A_37 = vector.shape_cast %broadcast_in_dim3A_32 : vector<16xf32> to vector<1x16xf32>
      tpu.vector_store %arg8[%swap3A_33, %swap3A_34], %swap3A_37 {strides = array<i32>} : memref<128x128xf32, #tpu.memory_space<vmem>>, vector<1x16xf32>,
      %broadcast_in_dim3A_38 = arith.constant 0.000000e+00 : f32
      %broadcast_in_dim3A_39 = vector.broadcast %broadcast_in_dim3A_38 : f32 to vector<16xf32>
      %swap3A_40 = arith.index_cast %scan3A_25 : i32 to index
      %swap3A_41 = arith.constant 32 : index
      %swap3A_42 = tpu.vector_load %arg8[%swap3A_40, %swap3A_41] {strides = array<i32>} : memref<128x128xf32, #tpu.memory_space<vmem>>, vector<1x16xf32>,
      %swap3A_43 = vector.shape_cast %swap3A_42 : vector<1x16xf32> to vector<16xf32>
      %swap3A_44 = vector.shape_cast %broadcast_in_dim3A_39 : vector<16xf32> to vector<1x16xf32>
      tpu.vector_store %arg8[%swap3A_40, %swap3A_41], %swap3A_44 {strides = array<i32>} : memref<128x128xf32, #tpu.memory_space<vmem>>, vector<1x16xf32>,
      %broadcast_in_dim3A_45 = arith.constant 0.000000e+00 : f32
      %broadcast_in_dim3A_46 = vector.broadcast %broadcast_in_dim3A_45 : f32 to vector<16xf32>
      %swap3A_47 = arith.index_cast %scan3A_25 : i32 to index
      %swap3A_48 = arith.constant 48 : index
      %swap3A_49 = tpu.vector_load %arg8[%swap3A_47, %swap3A_48] {strides = array<i32>} : memref<128x128xf32, #tpu.memory_space<vmem>>, vector<1x16xf32>,
      %swap3A_50 = vector.shape_cast %swap3A_49 : vector<1x16xf32> to vector<16xf32>
      %swap3A_51 = vector.shape_cast %broadcast_in_dim3A_46 : vector<16xf32> to vector<1x16xf32>
      tpu.vector_store %arg8[%swap3A_47, %swap3A_48], %swap3A_51 {strides = array<i32>} : memref<128x128xf32, #tpu.memory_space<vmem>>, vector<1x16xf32>,
      %broadcast_in_dim3A_52 = arith.constant 0.000000e+00 : f32
      %broadcast_in_dim3A_53 = vector.broadcast %broadcast_in_dim3A_52 : f32 to vector<16xf32>
      %swap3A_54 = arith.index_cast %scan3A_25 : i32 to index
      %swap3A_55 = arith.constant 64 : index
      %swap3A_56 = tpu.vector_load %arg8[%swap3A_54, %swap3A_55] {strides = array<i32>} : memref<128x128xf32, #tpu.memory_space<vmem>>, vector<1x16xf32>,
      %swap3A_57 = vector.shape_cast %swap3A_56 : vector<1x16xf32> to vector<16xf32>
      %swap3A_58 = vector.shape_cast %broadcast_in_dim3A_53 : vector<16xf32> to vector<1x16xf32>
      tpu.vector_store %arg8[%swap3A_54, %swap3A_55], %swap3A_58 {strides = array<i32>} : memref<128x128xf32, #tpu.memory_space<vmem>>, vector<1x16xf32>,
      %broadcast_in_dim3A_59 = arith.constant 0.000000e+00 : f32
      %broadcast_in_dim3A_60 = vector.broadcast %broadcast_in_dim3A_59 : f32 to vector<16xf32>
      %swap3A_61 = arith.index_cast %scan3A_25 : i32 to index
      %swap3A_62 = arith.constant 80 : index
      %swap3A_63 = tpu.vector_load %arg8[%swap3A_61, %swap3A_62] {strides = array<i32>} : memref<128x128xf32, #tpu.memory_space<vmem>>, vector<1x16xf32>,
      %swap3A_64 = vector.shape_cast %swap3A_63 : vector<1x16xf32> to vector<16xf32>
      %swap3A_65 = vector.shape_cast %broadcast_in_dim3A_60 : vector<16xf32> to vector<1x16xf32>
      tpu.vector_store %arg8[%swap3A_61, %swap3A_62], %swap3A_65 {strides = array<i32>} : memref<128x128xf32, #tpu.memory_space<vmem>>, vector<1x16xf32>,
      %broadcast_in_dim3A_66 = arith.constant 0.000000e+00 : f32
      %broadcast_in_dim3A_67 = vector.broadcast %broadcast_in_dim3A_66 : f32 to vector<16xf32>
      %swap3A_68 = arith.index_cast %scan3A_25 : i32 to index
      %swap3A_69 = arith.constant 96 : index
      %swap3A_70 = tpu.vector_load %arg8[%swap3A_68, %swap3A_69] {strides = array<i32>} : memref<128x128xf32, #tpu.memory_space<vmem>>, vector<1x16xf32>,
      %swap3A_71 = vector.shape_cast %swap3A_70 : vector<1x16xf32> to vector<16xf32>
      %swap3A_72 = vector.shape_cast %broadcast_in_dim3A_67 : vector<16xf32> to vector<1x16xf32>
      tpu.vector_store %arg8[%swap3A_68, %swap3A_69], %swap3A_72 {strides = array<i32>} : memref<128x128xf32, #tpu.memory_space<vmem>>, vector<1x16xf32>,
      %broadcast_in_dim3A_73 = arith.constant 0.000000e+00 : f32
      %broadcast_in_dim3A_74 = vector.broadcast %broadcast_in_dim3A_73 : f32 to vector<16xf32>
      %swap3A_75 = arith.index_cast %scan3A_25 : i32 to index
      %swap3A_76 = arith.constant 112 : index
      %swap3A_77 = tpu.vector_load %arg8[%swap3A_75, %swap3A_76] {strides = array<i32>} : memref<128x128xf32, #tpu.memory_space<vmem>>, vector<1x16xf32>,
      %swap3A_78 = vector.shape_cast %swap3A_77 : vector<1x16xf32> to vector<16xf32>
      %swap3A_79 = vector.shape_cast %broadcast_in_dim3A_74 : vector<16xf32> to vector<1x16xf32>
      tpu.vector_store %arg8[%swap3A_75, %swap3A_76], %swap3A_79 {strides = array<i32>} : memref<128x128xf32, #tpu.memory_space<vmem>>, vector<1x16xf32>,
    }
    %scan3A_5 = arith.constant 128 : i32
    %mul3A_6 = arith.constant 632 : i32
    %mul3A_7 = arith.muli %arg1, %mul3A_6 : i32
    %add3A_8 = arith.constant 0 : i32
    %add3A_9 = arith.addi %mul3A_7, %add3A_8 : i32
    "tpu.region"() ({
      %run_scoped3A = tpu.sem_alloc : memref<!tpu.dma_semaphore, #tpu.memory_space<semaphore_mem>>
      %dma_start3A = arith.constant 0 : i32
      %dma_start3A_25 = tpu.memref_slice %arg9[%add3A_9, %dma_start3A] : memref<10112x128xf32, #tpu.memory_space<vmem_shared>> -> memref<128x128xf32, #tpu.memory_space<vmem_shared>>
      %dma_start3A_26 = arith.constant 0 : i32
      %dma_start3A_27 = tpu.memref_slice %arg9[%add3A_9, %dma_start3A_26] : memref<10112x128xf32, #tpu.memory_space<vmem_shared>> -> memref<128x128xf32, #tpu.memory_space<vmem_shared>>
      tpu.enqueue_dma source(%arg8 : memref<128x128xf32, #tpu.memory_space<vmem>>) target(%dma_start3A_27 : memref<128x128xf32, #tpu.memory_space<vmem_shared>>) target_semaphore(%run_scoped3A : memref<!tpu.dma_semaphore, #tpu.memory_space<semaphore_mem>>)
      %dma_wait3A = arith.constant 0 : i32
      %dma_wait3A_28 = tpu.memref_slice %arg9[%add3A_9, %dma_wait3A] : memref<10112x128xf32, #tpu.memory_space<vmem_shared>> -> memref<128x128xf32, #tpu.memory_space<vmem_shared>>
      %dma_wait3A_29 = arith.constant 0 : i32
      %dma_wait3A_30 = tpu.memref_slice %arg9[%add3A_9, %dma_wait3A_29] : memref<10112x128xf32, #tpu.memory_space<vmem_shared>> -> memref<128x128xf32, #tpu.memory_space<vmem_shared>>
      tpu.wait_dma2 semaphore(%run_scoped3A : memref<!tpu.dma_semaphore, #tpu.memory_space<semaphore_mem>>) src(%arg8 : memref<128x128xf32, #tpu.memory_space<vmem>>) dst(%dma_wait3A_30 : memref<128x128xf32, #tpu.memory_space<vmem_shared>>)
      tpu.yield
    }) : () -> ()
    %add3A_10 = arith.constant 128 : i32
    %add3A_11 = arith.addi %mul3A_7, %add3A_10 : i32
    "tpu.region"() ({
      %run_scoped3A = tpu.sem_alloc : memref<!tpu.dma_semaphore, #tpu.memory_space<semaphore_mem>>
      %dma_start3A = arith.constant 0 : i32
      %dma_start3A_25 = tpu.memref_slice %arg9[%add3A_11, %dma_start3A] : memref<10112x128xf32, #tpu.memory_space<vmem_shared>> -> memref<128x128xf32, #tpu.memory_space<vmem_shared>>
      %dma_start3A_26 = arith.constant 0 : i32
      %dma_start3A_27 = tpu.memref_slice %arg9[%add3A_11, %dma_start3A_26] : memref<10112x128xf32, #tpu.memory_space<vmem_shared>> -> memref<128x128xf32, #tpu.memory_space<vmem_shared>>
      tpu.enqueue_dma source(%arg8 : memref<128x128xf32, #tpu.memory_space<vmem>>) target(%dma_start3A_27 : memref<128x128xf32, #tpu.memory_space<vmem_shared>>) target_semaphore(%run_scoped3A : memref<!tpu.dma_semaphore, #tpu.memory_space<semaphore_mem>>)
      %dma_wait3A = arith.constant 0 : i32
      %dma_wait3A_28 = tpu.memref_slice %arg9[%add3A_11, %dma_wait3A] : memref<10112x128xf32, #tpu.memory_space<vmem_shared>> -> memref<128x128xf32, #tpu.memory_space<vmem_shared>>
      %dma_wait3A_29 = arith.constant 0 : i32
      %dma_wait3A_30 = tpu.memref_slice %arg9[%add3A_11, %dma_wait3A_29] : memref<10112x128xf32, #tpu.memory_space<vmem_shared>> -> memref<128x128xf32, #tpu.memory_space<vmem_shared>>
      tpu.wait_dma2 semaphore(%run_scoped3A : memref<!tpu.dma_semaphore, #tpu.memory_space<semaphore_mem>>) src(%arg8 : memref<128x128xf32, #tpu.memory_space<vmem>>) dst(%dma_wait3A_30 : memref<128x128xf32, #tpu.memory_space<vmem_shared>>)
      tpu.yield
    }) : () -> ()
    %add3A_12 = arith.constant 256 : i32
    %add3A_13 = arith.addi %mul3A_7, %add3A_12 : i32
    "tpu.region"() ({
      %run_scoped3A = tpu.sem_alloc : memref<!tpu.dma_semaphore, #tpu.memory_space<semaphore_mem>>
      %dma_start3A = arith.constant 0 : i32
      %dma_start3A_25 = tpu.memref_slice %arg9[%add3A_13, %dma_start3A] : memref<10112x128xf32, #tpu.memory_space<vmem_shared>> -> memref<128x128xf32, #tpu.memory_space<vmem_shared>>
      %dma_start3A_26 = arith.constant 0 : i32
      %dma_start3A_27 = tpu.memref_slice %arg9[%add3A_13, %dma_start3A_26] : memref<10112x128xf32, #tpu.memory_space<vmem_shared>> -> memref<128x128xf32, #tpu.memory_space<vmem_shared>>
      tpu.enqueue_dma source(%arg8 : memref<128x128xf32, #tpu.memory_space<vmem>>) target(%dma_start3A_27 : memref<128x128xf32, #tpu.memory_space<vmem_shared>>) target_semaphore(%run_scoped3A : memref<!tpu.dma_semaphore, #tpu.memory_space<semaphore_mem>>)
      %dma_wait3A = arith.constant 0 : i32
      %dma_wait3A_28 = tpu.memref_slice %arg9[%add3A_13, %dma_wait3A] : memref<10112x128xf32, #tpu.memory_space<vmem_shared>> -> memref<128x128xf32, #tpu.memory_space<vmem_shared>>
      %dma_wait3A_29 = arith.constant 0 : i32
      %dma_wait3A_30 = tpu.memref_slice %arg9[%add3A_13, %dma_wait3A_29] : memref<10112x128xf32, #tpu.memory_space<vmem_shared>> -> memref<128x128xf32, #tpu.memory_space<vmem_shared>>
      tpu.wait_dma2 semaphore(%run_scoped3A : memref<!tpu.dma_semaphore, #tpu.memory_space<semaphore_mem>>) src(%arg8 : memref<128x128xf32, #tpu.memory_space<vmem>>) dst(%dma_wait3A_30 : memref<128x128xf32, #tpu.memory_space<vmem_shared>>)
      tpu.yield
    }) : () -> ()
    %add3A_14 = arith.constant 384 : i32
    %add3A_15 = arith.addi %mul3A_7, %add3A_14 : i32
    "tpu.region"() ({
      %run_scoped3A = tpu.sem_alloc : memref<!tpu.dma_semaphore, #tpu.memory_space<semaphore_mem>>
      %dma_start3A = arith.constant 0 : i32
      %dma_start3A_25 = tpu.memref_slice %arg9[%add3A_15, %dma_start3A] : memref<10112x128xf32, #tpu.memory_space<vmem_shared>> -> memref<128x128xf32, #tpu.memory_space<vmem_shared>>
      %dma_start3A_26 = arith.constant 0 : i32
      %dma_start3A_27 = tpu.memref_slice %arg9[%add3A_15, %dma_start3A_26] : memref<10112x128xf32, #tpu.memory_space<vmem_shared>> -> memref<128x128xf32, #tpu.memory_space<vmem_shared>>
      tpu.enqueue_dma source(%arg8 : memref<128x128xf32, #tpu.memory_space<vmem>>) target(%dma_start3A_27 : memref<128x128xf32, #tpu.memory_space<vmem_shared>>) target_semaphore(%run_scoped3A : memref<!tpu.dma_semaphore, #tpu.memory_space<semaphore_mem>>)
      %dma_wait3A = arith.constant 0 : i32
      %dma_wait3A_28 = tpu.memref_slice %arg9[%add3A_15, %dma_wait3A] : memref<10112x128xf32, #tpu.memory_space<vmem_shared>> -> memref<128x128xf32, #tpu.memory_space<vmem_shared>>
      %dma_wait3A_29 = arith.constant 0 : i32
      %dma_wait3A_30 = tpu.memref_slice %arg9[%add3A_15, %dma_wait3A_29] : memref<10112x128xf32, #tpu.memory_space<vmem_shared>> -> memref<128x128xf32, #tpu.memory_space<vmem_shared>>
      tpu.wait_dma2 semaphore(%run_scoped3A : memref<!tpu.dma_semaphore, #tpu.memory_space<semaphore_mem>>) src(%arg8 : memref<128x128xf32, #tpu.memory_space<vmem>>) dst(%dma_wait3A_30 : memref<128x128xf32, #tpu.memory_space<vmem_shared>>)
      tpu.yield
    }) : () -> ()
    %add3A_16 = arith.constant 512 : i32
    %add3A_17 = arith.addi %mul3A_7, %add3A_16 : i32
    "tpu.region"() ({
      %run_scoped3A = tpu.sem_alloc : memref<!tpu.dma_semaphore, #tpu.memory_space<semaphore_mem>>
      %dma_start3A = arith.constant 0 : i32
      %dma_start3A_25 = arith.constant 0 : i32
      %dma_start3A_26 = tpu.memref_slice %arg8[%dma_start3A, %dma_start3A_25] : memref<128x128xf32, #tpu.memory_space<vmem>> -> memref<120x128xf32, #tpu.memory_space<vmem>>
      %dma_start3A_27 = arith.constant 0 : i32
      %dma_start3A_28 = tpu.memref_slice %arg9[%add3A_17, %dma_start3A_27] : memref<10112x128xf32, #tpu.memory_space<vmem_shared>> -> memref<120x128xf32, #tpu.memory_space<vmem_shared>>
      %dma_start3A_29 = arith.constant 0 : i32
      %dma_start3A_30 = tpu.memref_slice %arg9[%add3A_17, %dma_start3A_29] : memref<10112x128xf32, #tpu.memory_space<vmem_shared>> -> memref<120x128xf32, #tpu.memory_space<vmem_shared>>
      %dma_start3A_31 = arith.constant 0 : i32
      %dma_start3A_32 = arith.constant 0 : i32
      %dma_start3A_33 = tpu.memref_slice %arg8[%dma_start3A_31, %dma_start3A_32] : memref<128x128xf32, #tpu.memory_space<vmem>> -> memref<120x128xf32, #tpu.memory_space<vmem>>
      tpu.enqueue_dma source(%dma_start3A_33 : memref<120x128xf32, #tpu.memory_space<vmem>>) target(%dma_start3A_30 : memref<120x128xf32, #tpu.memory_space<vmem_shared>>) target_semaphore(%run_scoped3A : memref<!tpu.dma_semaphore, #tpu.memory_space<semaphore_mem>>)
      %dma_wait3A = arith.constant 0 : i32
      %dma_wait3A_34 = arith.constant 0 : i32
      %dma_wait3A_35 = tpu.memref_slice %arg8[%dma_wait3A, %dma_wait3A_34] : memref<128x128xf32, #tpu.memory_space<vmem>> -> memref<120x128xf32, #tpu.memory_space<vmem>>
      %dma_wait3A_36 = arith.constant 0 : i32
      %dma_wait3A_37 = tpu.memref_slice %arg9[%add3A_17, %dma_wait3A_36] : memref<10112x128xf32, #tpu.memory_space<vmem_shared>> -> memref<120x128xf32, #tpu.memory_space<vmem_shared>>
      %dma_wait3A_38 = arith.constant 0 : i32
      %dma_wait3A_39 = tpu.memref_slice %arg9[%add3A_17, %dma_wait3A_38] : memref<10112x128xf32, #tpu.memory_space<vmem_shared>> -> memref<120x128xf32, #tpu.memory_space<vmem_shared>>
      %dma_wait3A_40 = arith.constant 0 : i32
      %dma_wait3A_41 = arith.constant 0 : i32
      %dma_wait3A_42 = tpu.memref_slice %arg8[%dma_wait3A_40, %dma_wait3A_41] : memref<128x128xf32, #tpu.memory_space<vmem>> -> memref<120x128xf32, #tpu.memory_space<vmem>>
      tpu.wait_dma2 semaphore(%run_scoped3A : memref<!tpu.dma_semaphore, #tpu.memory_space<semaphore_mem>>) src(%dma_wait3A_42 : memref<120x128xf32, #tpu.memory_space<vmem>>) dst(%dma_wait3A_39 : memref<120x128xf32, #tpu.memory_space<vmem_shared>>)
      tpu.yield
    }) : () -> ()
    %barrier3A = arith.constant 0 : index
    tpu.barrier barrier_id(%barrier3A)
    "tpu.region"() ({
      %run_scoped3A = tpu.sem_alloc : memref<!tpu.dma_semaphore, #tpu.memory_space<semaphore_mem>>
      %dma_start3A = arith.constant 0 : i32
      %dma_start3A_25 = arith.constant 0 : i32
      %dma_start3A_26 = tpu.memref_slice %arg3[%add3A, %dma_start3A, %dma_start3A_25] : memref<32x80x128xi32, #tpu.memory_space<hbm>> -> memref<1x80x128xi32, #tpu.memory_space<hbm>>
      %dma_start3A_27 = tpu.memref_squeeze %dma_start3A_26 : memref<1x80x128xi32, #tpu.memory_space<hbm>> -> memref<80x128xi32, #tpu.memory_space<hbm>>
      %dma_start3A_28 = arith.constant 0 : i32
      %dma_start3A_29 = arith.constant 0 : i32
      %dma_start3A_30 = tpu.memref_slice %arg3[%add3A, %dma_start3A_28, %dma_start3A_29] : memref<32x80x128xi32, #tpu.memory_space<hbm>> -> memref<1x80x128xi32, #tpu.memory_space<hbm>>
      %dma_start3A_31 = tpu.memref_squeeze %dma_start3A_30 : memref<1x80x128xi32, #tpu.memory_space<hbm>> -> memref<80x128xi32, #tpu.memory_space<hbm>>
      tpu.enqueue_dma source(%dma_start3A_31 : memref<80x128xi32, #tpu.memory_space<hbm>>) target(%arg6 : memref<80x128xi32, #tpu.memory_space<vmem>>) target_semaphore(%run_scoped3A : memref<!tpu.dma_semaphore, #tpu.memory_space<semaphore_mem>>)
      %dma_wait3A = arith.constant 0 : i32
      %dma_wait3A_32 = arith.constant 0 : i32
      %dma_wait3A_33 = tpu.memref_slice %arg3[%add3A, %dma_wait3A, %dma_wait3A_32] : memref<32x80x128xi32, #tpu.memory_space<hbm>> -> memref<1x80x128xi32, #tpu.memory_space<hbm>>
      %dma_wait3A_34 = tpu.memref_squeeze %dma_wait3A_33 : memref<1x80x128xi32, #tpu.memory_space<hbm>> -> memref<80x128xi32, #tpu.memory_space<hbm>>
      %dma_wait3A_35 = arith.constant 0 : i32
      %dma_wait3A_36 = arith.constant 0 : i32
      %dma_wait3A_37 = tpu.memref_slice %arg3[%add3A, %dma_wait3A_35, %dma_wait3A_36] : memref<32x80x128xi32, #tpu.memory_space<hbm>> -> memref<1x80x128xi32, #tpu.memory_space<hbm>>
      %dma_wait3A_38 = tpu.memref_squeeze %dma_wait3A_37 : memref<1x80x128xi32, #tpu.memory_space<hbm>> -> memref<80x128xi32, #tpu.memory_space<hbm>>
      tpu.wait_dma2 semaphore(%run_scoped3A : memref<!tpu.dma_semaphore, #tpu.memory_space<semaphore_mem>>) src(%dma_wait3A_38 : memref<80x128xi32, #tpu.memory_space<hbm>>) dst(%arg6 : memref<80x128xi32, #tpu.memory_space<vmem>>)
      tpu.yield
    }) : () -> ()
    "tpu.region"() ({
      %run_scoped3A = tpu.sem_alloc : memref<!tpu.dma_semaphore, #tpu.memory_space<semaphore_mem>>
      %dma_start3A = arith.constant 0 : i32
      %dma_start3A_25 = arith.constant 0 : i32
      %dma_start3A_26 = tpu.memref_slice %arg4[%add3A, %dma_start3A, %dma_start3A_25] : memref<32x80x128xi32, #tpu.memory_space<hbm>> -> memref<1x80x128xi32, #tpu.memory_space<hbm>>
      %dma_start3A_27 = tpu.memref_squeeze %dma_start3A_26 : memref<1x80x128xi32, #tpu.memory_space<hbm>> -> memref<80x128xi32, #tpu.memory_space<hbm>>
      %dma_start3A_28 = arith.constant 0 : i32
      %dma_start3A_29 = arith.constant 0 : i32
      %dma_start3A_30 = tpu.memref_slice %arg4[%add3A, %dma_start3A_28, %dma_start3A_29] : memref<32x80x128xi32, #tpu.memory_space<hbm>> -> memref<1x80x128xi32, #tpu.memory_space<hbm>>
      %dma_start3A_31 = tpu.memref_squeeze %dma_start3A_30 : memref<1x80x128xi32, #tpu.memory_space<hbm>> -> memref<80x128xi32, #tpu.memory_space<hbm>>
      tpu.enqueue_dma source(%dma_start3A_31 : memref<80x128xi32, #tpu.memory_space<hbm>>) target(%arg7 : memref<80x128xi32, #tpu.memory_space<vmem>>) target_semaphore(%run_scoped3A : memref<!tpu.dma_semaphore, #tpu.memory_space<semaphore_mem>>)
      %dma_wait3A = arith.constant 0 : i32
      %dma_wait3A_32 = arith.constant 0 : i32
      %dma_wait3A_33 = tpu.memref_slice %arg4[%add3A, %dma_wait3A, %dma_wait3A_32] : memref<32x80x128xi32, #tpu.memory_space<hbm>> -> memref<1x80x128xi32, #tpu.memory_space<hbm>>
      %dma_wait3A_34 = tpu.memref_squeeze %dma_wait3A_33 : memref<1x80x128xi32, #tpu.memory_space<hbm>> -> memref<80x128xi32, #tpu.memory_space<hbm>>
      %dma_wait3A_35 = arith.constant 0 : i32
      %dma_wait3A_36 = arith.constant 0 : i32
      %dma_wait3A_37 = tpu.memref_slice %arg4[%add3A, %dma_wait3A_35, %dma_wait3A_36] : memref<32x80x128xi32, #tpu.memory_space<hbm>> -> memref<1x80x128xi32, #tpu.memory_space<hbm>>
      %dma_wait3A_38 = tpu.memref_squeeze %dma_wait3A_37 : memref<1x80x128xi32, #tpu.memory_space<hbm>> -> memref<80x128xi32, #tpu.memory_space<hbm>>
      tpu.wait_dma2 semaphore(%run_scoped3A : memref<!tpu.dma_semaphore, #tpu.memory_space<semaphore_mem>>) src(%dma_wait3A_38 : memref<80x128xi32, #tpu.memory_space<hbm>>) dst(%arg7 : memref<80x128xi32, #tpu.memory_space<vmem>>)
      tpu.yield
    }) : () -> ()
    %scan3A_18 = arith.constant 0 : i32
    %scan3A_19 = arith.constant 0 : i32
    %scan3A_20 = arith.constant 80 : i32
    %scan3A_21 = arith.addi %scan3A_19, %scan3A_20 : i32
    %scan3A_22 = arith.constant 1 : i32
    scf.for %scan3A_25 = %scan3A_19 to %scan3A_21 step %scan3A_22  : i32 {
      %dma_start3A = arith.constant 0 : i32
      %dma_start3A_26 = tpu.memref_slice %arg6[%scan3A_25, %dma_start3A] : memref<80x128xi32, #tpu.memory_space<vmem>> -> memref<1x128xi32, #tpu.memory_space<vmem>>
      %dma_start3A_27 = tpu.memref_squeeze %dma_start3A_26 : memref<1x128xi32, #tpu.memory_space<vmem>> -> memref<128xi32, #tpu.memory_space<vmem>>
      %dma_start3A_28 = arith.constant 0 : i32
      %dma_start3A_29 = arith.constant 0 : i32
      %dma_start3A_30 = tpu.memref_slice %arg2[%dma_start3A_28, %dma_start3A_29] : memref<10000x128xf32, #tpu.memory_space<hbm>> -> memref<10000x128xf32, #tpu.memory_space<hbm>>
      tpu.enqueue_indirect_dma source(%dma_start3A_30 : memref<10000x128xf32, #tpu.memory_space<hbm>>) target(%arg8 : memref<128x128xf32, #tpu.memory_space<vmem>>) offsets(%dma_start3A_27 : memref<128xi32, #tpu.memory_space<vmem>>) semaphore(%arg10 : memref<!tpu.dma_semaphore, #tpu.memory_space<semaphore_mem>>)
      %dma_wait3A = arith.constant 0 : i32
      %dma_wait3A_31 = tpu.memref_slice %arg6[%scan3A_25, %dma_wait3A] : memref<80x128xi32, #tpu.memory_space<vmem>> -> memref<1x128xi32, #tpu.memory_space<vmem>>
      %dma_wait3A_32 = tpu.memref_squeeze %dma_wait3A_31 : memref<1x128xi32, #tpu.memory_space<vmem>> -> memref<128xi32, #tpu.memory_space<vmem>>
      %dma_wait3A_33 = arith.constant 0 : i32
      %dma_wait3A_34 = arith.constant 0 : i32
      %dma_wait3A_35 = tpu.memref_slice %arg2[%dma_wait3A_33, %dma_wait3A_34] : memref<10000x128xf32, #tpu.memory_space<hbm>> -> memref<10000x128xf32, #tpu.memory_space<hbm>>
      tpu.wait_indirect_dma semaphore(%arg10 : memref<!tpu.dma_semaphore, #tpu.memory_space<semaphore_mem>>) src(%dma_wait3A_35 : memref<10000x128xf32, #tpu.memory_space<hbm>>) dst(%arg8 : memref<128x128xf32, #tpu.memory_space<vmem>>)
      "tpu.region"() ({
        %run_scoped3A = tpu.sem_alloc : memref<!tpu.dma_semaphore, #tpu.memory_space<semaphore_mem>>
        %dma_start3A_36 = arith.constant 0 : i32
        %dma_start3A_37 = tpu.memref_slice %arg7[%scan3A_25, %dma_start3A_36] : memref<80x128xi32, #tpu.memory_space<vmem>> -> memref<1x128xi32, #tpu.memory_space<vmem>>
        %dma_start3A_38 = tpu.memref_squeeze %dma_start3A_37 : memref<1x128xi32, #tpu.memory_space<vmem>> -> memref<128xi32, #tpu.memory_space<vmem>>
        %dma_start3A_39 = arith.constant 0 : i32
        %dma_start3A_40 = arith.constant 0 : i32
        %dma_start3A_41 = tpu.memref_slice %arg9[%dma_start3A_39, %dma_start3A_40] : memref<10112x128xf32, #tpu.memory_space<vmem_shared>> -> memref<10112x128xf32, #tpu.memory_space<vmem_shared>>
        tpu.enqueue_indirect_dma source(%arg8 : memref<128x128xf32, #tpu.memory_space<vmem>>) target(%dma_start3A_41 : memref<10112x128xf32, #tpu.memory_space<vmem_shared>>) offsets(%dma_start3A_38 : memref<128xi32, #tpu.memory_space<vmem>>) semaphore(%run_scoped3A : memref<!tpu.dma_semaphore, #tpu.memory_space<semaphore_mem>>) {add = true}
        %dma_wait3A_42 = arith.constant 0 : i32
        %dma_wait3A_43 = tpu.memref_slice %arg7[%scan3A_25, %dma_wait3A_42] : memref<80x128xi32, #tpu.memory_space<vmem>> -> memref<1x128xi32, #tpu.memory_space<vmem>>
        %dma_wait3A_44 = tpu.memref_squeeze %dma_wait3A_43 : memref<1x128xi32, #tpu.memory_space<vmem>> -> memref<128xi32, #tpu.memory_space<vmem>>
        %dma_wait3A_45 = arith.constant 0 : i32
        %dma_wait3A_46 = arith.constant 0 : i32
        %dma_wait3A_47 = tpu.memref_slice %arg9[%dma_wait3A_45, %dma_wait3A_46] : memref<10112x128xf32, #tpu.memory_space<vmem_shared>> -> memref<10112x128xf32, #tpu.memory_space<vmem_shared>>
        tpu.wait_indirect_dma semaphore(%run_scoped3A : memref<!tpu.dma_semaphore, #tpu.memory_space<semaphore_mem>>) src(%arg8 : memref<128x128xf32, #tpu.memory_space<vmem>>) dst(%dma_wait3A_47 : memref<10112x128xf32, #tpu.memory_space<vmem_shared>>)
        tpu.yield
      }) : () -> ()
    }
    %scan3A_23 = arith.constant 80 : i32
    %barrier3A_24 = arith.constant 0 : index
    tpu.barrier barrier_id(%barrier3A_24)
    "tpu.region"() ({
      %run_scoped3A = tpu.sem_alloc : memref<!tpu.dma_semaphore, #tpu.memory_space<semaphore_mem>>
      %dma_start3A = arith.constant 0 : i32
      %dma_start3A_25 = tpu.memref_slice %arg5[%arg0, %mul3A_7, %dma_start3A] : memref<2x10112x128xf32, #tpu.memory_space<hbm>> -> memref<1x632x128xf32, #tpu.memory_space<hbm>>
      %dma_start3A_26 = tpu.memref_squeeze %dma_start3A_25 : memref<1x632x128xf32, #tpu.memory_space<hbm>> -> memref<632x128xf32, #tpu.memory_space<hbm>>
      %dma_start3A_27 = arith.constant 0 : i32
      %dma_start3A_28 = tpu.memref_slice %arg9[%mul3A_7, %dma_start3A_27] : memref<10112x128xf32, #tpu.memory_space<vmem_shared>> -> memref<632x128xf32, #tpu.memory_space<vmem_shared>>
      tpu.enqueue_dma source(%dma_start3A_28 : memref<632x128xf32, #tpu.memory_space<vmem_shared>>) target(%dma_start3A_26 : memref<632x128xf32, #tpu.memory_space<hbm>>) target_semaphore(%run_scoped3A : memref<!tpu.dma_semaphore, #tpu.memory_space<semaphore_mem>>)
      %dma_wait3A = arith.constant 0 : i32
      %dma_wait3A_29 = tpu.memref_slice %arg5[%arg0, %mul3A_7, %dma_wait3A] : memref<2x10112x128xf32, #tpu.memory_space<hbm>> -> memref<1x632x128xf32, #tpu.memory_space<hbm>>
      %dma_wait3A_30 = tpu.memref_squeeze %dma_wait3A_29 : memref<1x632x128xf32, #tpu.memory_space<hbm>> -> memref<632x128xf32, #tpu.memory_space<hbm>>
      %dma_wait3A_31 = arith.constant 0 : i32
      %dma_wait3A_32 = tpu.memref_slice %arg9[%mul3A_7, %dma_wait3A_31] : memref<10112x128xf32, #tpu.memory_space<vmem_shared>> -> memref<632x128xf32, #tpu.memory_space<vmem_shared>>
      tpu.wait_dma2 semaphore(%run_scoped3A : memref<!tpu.dma_semaphore, #tpu.memory_space<semaphore_mem>>) src(%dma_wait3A_32 : memref<632x128xf32, #tpu.memory_space<vmem_shared>>) dst(%dma_wait3A_30 : memref<632x128xf32, #tpu.memory_space<hbm>>)
      tpu.yield
    }) : () -> ()
    return
  }
}

#map = affine_map<(d0, d1) -> (0, 0)>
#map1 = affine_map<(d0, d1) -> (0, 0, 0)>
module attributes {stable_mosaic.version = 14 : i64} {
  func.func @seg_kernel(%arg0: i32, %arg1: i32, %arg2: memref<10000x128xf32, #tpu.memory_space<hbm>>, %arg3: memref<32x80x128xi32, #tpu.memory_space<hbm>>, %arg4: memref<32x80x128xi32, #tpu.memory_space<hbm>>, %arg5: memref<2x10112x128xf32, #tpu.memory_space<hbm>>, %arg6: memref<80x128xi32, #tpu.memory_space<vmem>>, %arg7: memref<80x128xi32, #tpu.memory_space<vmem>>, %arg8: memref<128x128xf32, #tpu.memory_space<vmem>>, %arg9: memref<10112x128xf32, #tpu.memory_space<vmem_shared>>, %arg10: memref<!tpu.dma_semaphore, #tpu.memory_space<semaphore_mem>>) attributes {dimension_semantics = [#tpu.dimension_semantics<core_parallel>, #tpu.dimension_semantics<subcore_parallel>], iteration_bounds = array<i64: 2, 16>, scalar_prefetch = 0 : i64, scratch_operands = 5 : i64, tpu.core_type = #tpu.core_type<sc_vector_subcore>, window_params = [{transform_indices = #map}, {transform_indices = #map1}, {transform_indices = #map1}, {transform_indices = #map1}]} {
    %mul3A = arith.constant 2 : i32
    %mul3A_0 = arith.muli %arg1, %mul3A : i32
    %add3A = arith.addi %mul3A_0, %arg0 : i32
    %scan3A = arith.constant 0 : i32
    %scan3A_1 = arith.constant 0 : i32
    %scan3A_2 = arith.constant 128 : i32
    %scan3A_3 = arith.addi %scan3A_1, %scan3A_2 : i32
    %scan3A_4 = arith.constant 1 : i32
    scf.for %scan3A_25 = %scan3A_1 to %scan3A_3 step %scan3A_4  : i32 {
      %broadcast_in_dim3A = arith.constant 0.000000e+00 : f32
      %broadcast_in_dim3A_26 = vector.broadcast %broadcast_in_dim3A : f32 to vector<16xf32>
      %swap3A = arith.index_cast %scan3A_25 : i32 to index
      %swap3A_27 = arith.constant 0 : index
      %swap3A_28 = tpu.vector_load %arg8[%swap3A, %swap3A_27] {strides = array<i32>} : memref<128x128xf32, #tpu.memory_space<vmem>>, vector<1x16xf32>,
      %swap3A_29 = vector.shape_cast %swap3A_28 : vector<1x16xf32> to vector<16xf32>
      %swap3A_30 = vector.shape_cast %broadcast_in_dim3A_26 : vector<16xf32> to vector<1x16xf32>
      tpu.vector_store %arg8[%swap3A, %swap3A_27], %swap3A_30 {strides = array<i32>} : memref<128x128xf32, #tpu.memory_space<vmem>>, vector<1x16xf32>,
      %broadcast_in_dim3A_31 = arith.constant 0.000000e+00 : f32
      %broadcast_in_dim3A_32 = vector.broadcast %broadcast_in_dim3A_31 : f32 to vector<16xf32>
      %swap3A_33 = arith.index_cast %scan3A_25 : i32 to index
      %swap3A_34 = arith.constant 16 : index
      %swap3A_35 = tpu.vector_load %arg8[%swap3A_33, %swap3A_34] {strides = array<i32>} : memref<128x128xf32, #tpu.memory_space<vmem>>, vector<1x16xf32>,
      %swap3A_36 = vector.shape_cast %swap3A_35 : vector<1x16xf32> to vector<16xf32>
      %swap3A_37 = vector.shape_cast %broadcast_in_dim3A_32 : vector<16xf32> to vector<1x16xf32>
      tpu.vector_store %arg8[%swap3A_33, %swap3A_34], %swap3A_37 {strides = array<i32>} : memref<128x128xf32, #tpu.memory_space<vmem>>, vector<1x16xf32>,
      %broadcast_in_dim3A_38 = arith.constant 0.000000e+00 : f32
      %broadcast_in_dim3A_39 = vector.broadcast %broadcast_in_dim3A_38 : f32 to vector<16xf32>
      %swap3A_40 = arith.index_cast %scan3A_25 : i32 to index
      %swap3A_41 = arith.constant 32 : index
      %swap3A_42 = tpu.vector_load %arg8[%swap3A_40, %swap3A_41] {strides = array<i32>} : memref<128x128xf32, #tpu.memory_space<vmem>>, vector<1x16xf32>,
      %swap3A_43 = vector.shape_cast %swap3A_42 : vector<1x16xf32> to vector<16xf32>
      %swap3A_44 = vector.shape_cast %broadcast_in_dim3A_39 : vector<16xf32> to vector<1x16xf32>
      tpu.vector_store %arg8[%swap3A_40, %swap3A_41], %swap3A_44 {strides = array<i32>} : memref<128x128xf32, #tpu.memory_space<vmem>>, vector<1x16xf32>,
      %broadcast_in_dim3A_45 = arith.constant 0.000000e+00 : f32
      %broadcast_in_dim3A_46 = vector.broadcast %broadcast_in_dim3A_45 : f32 to vector<16xf32>
      %swap3A_47 = arith.index_cast %scan3A_25 : i32 to index
      %swap3A_48 = arith.constant 48 : index
      %swap3A_49 = tpu.vector_load %arg8[%swap3A_47, %swap3A_48] {strides = array<i32>} : memref<128x128xf32, #tpu.memory_space<vmem>>, vector<1x16xf32>,
      %swap3A_50 = vector.shape_cast %swap3A_49 : vector<1x16xf32> to vector<16xf32>
      %swap3A_51 = vector.shape_cast %broadcast_in_dim3A_46 : vector<16xf32> to vector<1x16xf32>
      tpu.vector_store %arg8[%swap3A_47, %swap3A_48], %swap3A_51 {strides = array<i32>} : memref<128x128xf32, #tpu.memory_space<vmem>>, vector<1x16xf32>,
      %broadcast_in_dim3A_52 = arith.constant 0.000000e+00 : f32
      %broadcast_in_dim3A_53 = vector.broadcast %broadcast_in_dim3A_52 : f32 to vector<16xf32>
      %swap3A_54 = arith.index_cast %scan3A_25 : i32 to index
      %swap3A_55 = arith.constant 64 : index
      %swap3A_56 = tpu.vector_load %arg8[%swap3A_54, %swap3A_55] {strides = array<i32>} : memref<128x128xf32, #tpu.memory_space<vmem>>, vector<1x16xf32>,
      %swap3A_57 = vector.shape_cast %swap3A_56 : vector<1x16xf32> to vector<16xf32>
      %swap3A_58 = vector.shape_cast %broadcast_in_dim3A_53 : vector<16xf32> to vector<1x16xf32>
      tpu.vector_store %arg8[%swap3A_54, %swap3A_55], %swap3A_58 {strides = array<i32>} : memref<128x128xf32, #tpu.memory_space<vmem>>, vector<1x16xf32>,
      %broadcast_in_dim3A_59 = arith.constant 0.000000e+00 : f32
      %broadcast_in_dim3A_60 = vector.broadcast %broadcast_in_dim3A_59 : f32 to vector<16xf32>
      %swap3A_61 = arith.index_cast %scan3A_25 : i32 to index
      %swap3A_62 = arith.constant 80 : index
      %swap3A_63 = tpu.vector_load %arg8[%swap3A_61, %swap3A_62] {strides = array<i32>} : memref<128x128xf32, #tpu.memory_space<vmem>>, vector<1x16xf32>,
      %swap3A_64 = vector.shape_cast %swap3A_63 : vector<1x16xf32> to vector<16xf32>
      %swap3A_65 = vector.shape_cast %broadcast_in_dim3A_60 : vector<16xf32> to vector<1x16xf32>
      tpu.vector_store %arg8[%swap3A_61, %swap3A_62], %swap3A_65 {strides = array<i32>} : memref<128x128xf32, #tpu.memory_space<vmem>>, vector<1x16xf32>,
      %broadcast_in_dim3A_66 = arith.constant 0.000000e+00 : f32
      %broadcast_in_dim3A_67 = vector.broadcast %broadcast_in_dim3A_66 : f32 to vector<16xf32>
      %swap3A_68 = arith.index_cast %scan3A_25 : i32 to index
      %swap3A_69 = arith.constant 96 : index
      %swap3A_70 = tpu.vector_load %arg8[%swap3A_68, %swap3A_69] {strides = array<i32>} : memref<128x128xf32, #tpu.memory_space<vmem>>, vector<1x16xf32>,
      %swap3A_71 = vector.shape_cast %swap3A_70 : vector<1x16xf32> to vector<16xf32>
      %swap3A_72 = vector.shape_cast %broadcast_in_dim3A_67 : vector<16xf32> to vector<1x16xf32>
      tpu.vector_store %arg8[%swap3A_68, %swap3A_69], %swap3A_72 {strides = array<i32>} : memref<128x128xf32, #tpu.memory_space<vmem>>, vector<1x16xf32>,
      %broadcast_in_dim3A_73 = arith.constant 0.000000e+00 : f32
      %broadcast_in_dim3A_74 = vector.broadcast %broadcast_in_dim3A_73 : f32 to vector<16xf32>
      %swap3A_75 = arith.index_cast %scan3A_25 : i32 to index
      %swap3A_76 = arith.constant 112 : index
      %swap3A_77 = tpu.vector_load %arg8[%swap3A_75, %swap3A_76] {strides = array<i32>} : memref<128x128xf32, #tpu.memory_space<vmem>>, vector<1x16xf32>,
      %swap3A_78 = vector.shape_cast %swap3A_77 : vector<1x16xf32> to vector<16xf32>
      %swap3A_79 = vector.shape_cast %broadcast_in_dim3A_74 : vector<16xf32> to vector<1x16xf32>
      tpu.vector_store %arg8[%swap3A_75, %swap3A_76], %swap3A_79 {strides = array<i32>} : memref<128x128xf32, #tpu.memory_space<vmem>>, vector<1x16xf32>,
    }
    %scan3A_5 = arith.constant 128 : i32
    %mul3A_6 = arith.constant 632 : i32
    %mul3A_7 = arith.muli %arg1, %mul3A_6 : i32
    %add3A_8 = arith.constant 0 : i32
    %add3A_9 = arith.addi %mul3A_7, %add3A_8 : i32
    "tpu.region"() ({
      %run_scoped3A = tpu.sem_alloc : memref<!tpu.dma_semaphore, #tpu.memory_space<semaphore_mem>>
      %dma_start3A = arith.constant 0 : i32
      %dma_start3A_25 = tpu.memref_slice %arg9[%add3A_9, %dma_start3A] : memref<10112x128xf32, #tpu.memory_space<vmem_shared>> -> memref<128x128xf32, #tpu.memory_space<vmem_shared>>
      %dma_start3A_26 = arith.constant 0 : i32
      %dma_start3A_27 = tpu.memref_slice %arg9[%add3A_9, %dma_start3A_26] : memref<10112x128xf32, #tpu.memory_space<vmem_shared>> -> memref<128x128xf32, #tpu.memory_space<vmem_shared>>
      tpu.enqueue_dma source(%arg8 : memref<128x128xf32, #tpu.memory_space<vmem>>) target(%dma_start3A_27 : memref<128x128xf32, #tpu.memory_space<vmem_shared>>) target_semaphore(%run_scoped3A : memref<!tpu.dma_semaphore, #tpu.memory_space<semaphore_mem>>)
      %dma_wait3A = arith.constant 0 : i32
      %dma_wait3A_28 = tpu.memref_slice %arg9[%add3A_9, %dma_wait3A] : memref<10112x128xf32, #tpu.memory_space<vmem_shared>> -> memref<128x128xf32, #tpu.memory_space<vmem_shared>>
      %dma_wait3A_29 = arith.constant 0 : i32
      %dma_wait3A_30 = tpu.memref_slice %arg9[%add3A_9, %dma_wait3A_29] : memref<10112x128xf32, #tpu.memory_space<vmem_shared>> -> memref<128x128xf32, #tpu.memory_space<vmem_shared>>
      tpu.wait_dma2 semaphore(%run_scoped3A : memref<!tpu.dma_semaphore, #tpu.memory_space<semaphore_mem>>) src(%arg8 : memref<128x128xf32, #tpu.memory_space<vmem>>) dst(%dma_wait3A_30 : memref<128x128xf32, #tpu.memory_space<vmem_shared>>)
      tpu.yield
    }) : () -> ()
    %add3A_10 = arith.constant 128 : i32
    %add3A_11 = arith.addi %mul3A_7, %add3A_10 : i32
    "tpu.region"() ({
      %run_scoped3A = tpu.sem_alloc : memref<!tpu.dma_semaphore, #tpu.memory_space<semaphore_mem>>
      %dma_start3A = arith.constant 0 : i32
      %dma_start3A_25 = tpu.memref_slice %arg9[%add3A_11, %dma_start3A] : memref<10112x128xf32, #tpu.memory_space<vmem_shared>> -> memref<128x128xf32, #tpu.memory_space<vmem_shared>>
      %dma_start3A_26 = arith.constant 0 : i32
      %dma_start3A_27 = tpu.memref_slice %arg9[%add3A_11, %dma_start3A_26] : memref<10112x128xf32, #tpu.memory_space<vmem_shared>> -> memref<128x128xf32, #tpu.memory_space<vmem_shared>>
      tpu.enqueue_dma source(%arg8 : memref<128x128xf32, #tpu.memory_space<vmem>>) target(%dma_start3A_27 : memref<128x128xf32, #tpu.memory_space<vmem_shared>>) target_semaphore(%run_scoped3A : memref<!tpu.dma_semaphore, #tpu.memory_space<semaphore_mem>>)
      %dma_wait3A = arith.constant 0 : i32
      %dma_wait3A_28 = tpu.memref_slice %arg9[%add3A_11, %dma_wait3A] : memref<10112x128xf32, #tpu.memory_space<vmem_shared>> -> memref<128x128xf32, #tpu.memory_space<vmem_shared>>
      %dma_wait3A_29 = arith.constant 0 : i32
      %dma_wait3A_30 = tpu.memref_slice %arg9[%add3A_11, %dma_wait3A_29] : memref<10112x128xf32, #tpu.memory_space<vmem_shared>> -> memref<128x128xf32, #tpu.memory_space<vmem_shared>>
      tpu.wait_dma2 semaphore(%run_scoped3A : memref<!tpu.dma_semaphore, #tpu.memory_space<semaphore_mem>>) src(%arg8 : memref<128x128xf32, #tpu.memory_space<vmem>>) dst(%dma_wait3A_30 : memref<128x128xf32, #tpu.memory_space<vmem_shared>>)
      tpu.yield
    }) : () -> ()
    %add3A_12 = arith.constant 256 : i32
    %add3A_13 = arith.addi %mul3A_7, %add3A_12 : i32
    "tpu.region"() ({
      %run_scoped3A = tpu.sem_alloc : memref<!tpu.dma_semaphore, #tpu.memory_space<semaphore_mem>>
      %dma_start3A = arith.constant 0 : i32
      %dma_start3A_25 = tpu.memref_slice %arg9[%add3A_13, %dma_start3A] : memref<10112x128xf32, #tpu.memory_space<vmem_shared>> -> memref<128x128xf32, #tpu.memory_space<vmem_shared>>
      %dma_start3A_26 = arith.constant 0 : i32
      %dma_start3A_27 = tpu.memref_slice %arg9[%add3A_13, %dma_start3A_26] : memref<10112x128xf32, #tpu.memory_space<vmem_shared>> -> memref<128x128xf32, #tpu.memory_space<vmem_shared>>
      tpu.enqueue_dma source(%arg8 : memref<128x128xf32, #tpu.memory_space<vmem>>) target(%dma_start3A_27 : memref<128x128xf32, #tpu.memory_space<vmem_shared>>) target_semaphore(%run_scoped3A : memref<!tpu.dma_semaphore, #tpu.memory_space<semaphore_mem>>)
      %dma_wait3A = arith.constant 0 : i32
      %dma_wait3A_28 = tpu.memref_slice %arg9[%add3A_13, %dma_wait3A] : memref<10112x128xf32, #tpu.memory_space<vmem_shared>> -> memref<128x128xf32, #tpu.memory_space<vmem_shared>>
      %dma_wait3A_29 = arith.constant 0 : i32
      %dma_wait3A_30 = tpu.memref_slice %arg9[%add3A_13, %dma_wait3A_29] : memref<10112x128xf32, #tpu.memory_space<vmem_shared>> -> memref<128x128xf32, #tpu.memory_space<vmem_shared>>
      tpu.wait_dma2 semaphore(%run_scoped3A : memref<!tpu.dma_semaphore, #tpu.memory_space<semaphore_mem>>) src(%arg8 : memref<128x128xf32, #tpu.memory_space<vmem>>) dst(%dma_wait3A_30 : memref<128x128xf32, #tpu.memory_space<vmem_shared>>)
      tpu.yield
    }) : () -> ()
    %add3A_14 = arith.constant 384 : i32
    %add3A_15 = arith.addi %mul3A_7, %add3A_14 : i32
    "tpu.region"() ({
      %run_scoped3A = tpu.sem_alloc : memref<!tpu.dma_semaphore, #tpu.memory_space<semaphore_mem>>
      %dma_start3A = arith.constant 0 : i32
      %dma_start3A_25 = tpu.memref_slice %arg9[%add3A_15, %dma_start3A] : memref<10112x128xf32, #tpu.memory_space<vmem_shared>> -> memref<128x128xf32, #tpu.memory_space<vmem_shared>>
      %dma_start3A_26 = arith.constant 0 : i32
      %dma_start3A_27 = tpu.memref_slice %arg9[%add3A_15, %dma_start3A_26] : memref<10112x128xf32, #tpu.memory_space<vmem_shared>> -> memref<128x128xf32, #tpu.memory_space<vmem_shared>>
      tpu.enqueue_dma source(%arg8 : memref<128x128xf32, #tpu.memory_space<vmem>>) target(%dma_start3A_27 : memref<128x128xf32, #tpu.memory_space<vmem_shared>>) target_semaphore(%run_scoped3A : memref<!tpu.dma_semaphore, #tpu.memory_space<semaphore_mem>>)
      %dma_wait3A = arith.constant 0 : i32
      %dma_wait3A_28 = tpu.memref_slice %arg9[%add3A_15, %dma_wait3A] : memref<10112x128xf32, #tpu.memory_space<vmem_shared>> -> memref<128x128xf32, #tpu.memory_space<vmem_shared>>
      %dma_wait3A_29 = arith.constant 0 : i32
      %dma_wait3A_30 = tpu.memref_slice %arg9[%add3A_15, %dma_wait3A_29] : memref<10112x128xf32, #tpu.memory_space<vmem_shared>> -> memref<128x128xf32, #tpu.memory_space<vmem_shared>>
      tpu.wait_dma2 semaphore(%run_scoped3A : memref<!tpu.dma_semaphore, #tpu.memory_space<semaphore_mem>>) src(%arg8 : memref<128x128xf32, #tpu.memory_space<vmem>>) dst(%dma_wait3A_30 : memref<128x128xf32, #tpu.memory_space<vmem_shared>>)
      tpu.yield
    }) : () -> ()
    %add3A_16 = arith.constant 512 : i32
    %add3A_17 = arith.addi %mul3A_7, %add3A_16 : i32
    "tpu.region"() ({
      %run_scoped3A = tpu.sem_alloc : memref<!tpu.dma_semaphore, #tpu.memory_space<semaphore_mem>>
      %dma_start3A = arith.constant 0 : i32
      %dma_start3A_25 = arith.constant 0 : i32
      %dma_start3A_26 = tpu.memref_slice %arg8[%dma_start3A, %dma_start3A_25] : memref<128x128xf32, #tpu.memory_space<vmem>> -> memref<120x128xf32, #tpu.memory_space<vmem>>
      %dma_start3A_27 = arith.constant 0 : i32
      %dma_start3A_28 = tpu.memref_slice %arg9[%add3A_17, %dma_start3A_27] : memref<10112x128xf32, #tpu.memory_space<vmem_shared>> -> memref<120x128xf32, #tpu.memory_space<vmem_shared>>
      %dma_start3A_29 = arith.constant 0 : i32
      %dma_start3A_30 = tpu.memref_slice %arg9[%add3A_17, %dma_start3A_29] : memref<10112x128xf32, #tpu.memory_space<vmem_shared>> -> memref<120x128xf32, #tpu.memory_space<vmem_shared>>
      %dma_start3A_31 = arith.constant 0 : i32
      %dma_start3A_32 = arith.constant 0 : i32
      %dma_start3A_33 = tpu.memref_slice %arg8[%dma_start3A_31, %dma_start3A_32] : memref<128x128xf32, #tpu.memory_space<vmem>> -> memref<120x128xf32, #tpu.memory_space<vmem>>
      tpu.enqueue_dma source(%dma_start3A_33 : memref<120x128xf32, #tpu.memory_space<vmem>>) target(%dma_start3A_30 : memref<120x128xf32, #tpu.memory_space<vmem_shared>>) target_semaphore(%run_scoped3A : memref<!tpu.dma_semaphore, #tpu.memory_space<semaphore_mem>>)
      %dma_wait3A = arith.constant 0 : i32
      %dma_wait3A_34 = arith.constant 0 : i32
      %dma_wait3A_35 = tpu.memref_slice %arg8[%dma_wait3A, %dma_wait3A_34] : memref<128x128xf32, #tpu.memory_space<vmem>> -> memref<120x128xf32, #tpu.memory_space<vmem>>
      %dma_wait3A_36 = arith.constant 0 : i32
      %dma_wait3A_37 = tpu.memref_slice %arg9[%add3A_17, %dma_wait3A_36] : memref<10112x128xf32, #tpu.memory_space<vmem_shared>> -> memref<120x128xf32, #tpu.memory_space<vmem_shared>>
      %dma_wait3A_38 = arith.constant 0 : i32
      %dma_wait3A_39 = tpu.memref_slice %arg9[%add3A_17, %dma_wait3A_38] : memref<10112x128xf32, #tpu.memory_space<vmem_shared>> -> memref<120x128xf32, #tpu.memory_space<vmem_shared>>
      %dma_wait3A_40 = arith.constant 0 : i32
      %dma_wait3A_41 = arith.constant 0 : i32
      %dma_wait3A_42 = tpu.memref_slice %arg8[%dma_wait3A_40, %dma_wait3A_41] : memref<128x128xf32, #tpu.memory_space<vmem>> -> memref<120x128xf32, #tpu.memory_space<vmem>>
      tpu.wait_dma2 semaphore(%run_scoped3A : memref<!tpu.dma_semaphore, #tpu.memory_space<semaphore_mem>>) src(%dma_wait3A_42 : memref<120x128xf32, #tpu.memory_space<vmem>>) dst(%dma_wait3A_39 : memref<120x128xf32, #tpu.memory_space<vmem_shared>>)
      tpu.yield
    }) : () -> ()
    %barrier3A = arith.constant 0 : index
    tpu.barrier barrier_id(%barrier3A)
    "tpu.region"() ({
      %run_scoped3A = tpu.sem_alloc : memref<!tpu.dma_semaphore, #tpu.memory_space<semaphore_mem>>
      %dma_start3A = arith.constant 0 : i32
      %dma_start3A_25 = arith.constant 0 : i32
      %dma_start3A_26 = tpu.memref_slice %arg3[%add3A, %dma_start3A, %dma_start3A_25] : memref<32x80x128xi32, #tpu.memory_space<hbm>> -> memref<1x80x128xi32, #tpu.memory_space<hbm>>
      %dma_start3A_27 = tpu.memref_squeeze %dma_start3A_26 : memref<1x80x128xi32, #tpu.memory_space<hbm>> -> memref<80x128xi32, #tpu.memory_space<hbm>>
      %dma_start3A_28 = arith.constant 0 : i32
      %dma_start3A_29 = arith.constant 0 : i32
      %dma_start3A_30 = tpu.memref_slice %arg3[%add3A, %dma_start3A_28, %dma_start3A_29] : memref<32x80x128xi32, #tpu.memory_space<hbm>> -> memref<1x80x128xi32, #tpu.memory_space<hbm>>
      %dma_start3A_31 = tpu.memref_squeeze %dma_start3A_30 : memref<1x80x128xi32, #tpu.memory_space<hbm>> -> memref<80x128xi32, #tpu.memory_space<hbm>>
      tpu.enqueue_dma source(%dma_start3A_31 : memref<80x128xi32, #tpu.memory_space<hbm>>) target(%arg6 : memref<80x128xi32, #tpu.memory_space<vmem>>) target_semaphore(%run_scoped3A : memref<!tpu.dma_semaphore, #tpu.memory_space<semaphore_mem>>)
      %dma_wait3A = arith.constant 0 : i32
      %dma_wait3A_32 = arith.constant 0 : i32
      %dma_wait3A_33 = tpu.memref_slice %arg3[%add3A, %dma_wait3A, %dma_wait3A_32] : memref<32x80x128xi32, #tpu.memory_space<hbm>> -> memref<1x80x128xi32, #tpu.memory_space<hbm>>
      %dma_wait3A_34 = tpu.memref_squeeze %dma_wait3A_33 : memref<1x80x128xi32, #tpu.memory_space<hbm>> -> memref<80x128xi32, #tpu.memory_space<hbm>>
      %dma_wait3A_35 = arith.constant 0 : i32
      %dma_wait3A_36 = arith.constant 0 : i32
      %dma_wait3A_37 = tpu.memref_slice %arg3[%add3A, %dma_wait3A_35, %dma_wait3A_36] : memref<32x80x128xi32, #tpu.memory_space<hbm>> -> memref<1x80x128xi32, #tpu.memory_space<hbm>>
      %dma_wait3A_38 = tpu.memref_squeeze %dma_wait3A_37 : memref<1x80x128xi32, #tpu.memory_space<hbm>> -> memref<80x128xi32, #tpu.memory_space<hbm>>
      tpu.wait_dma2 semaphore(%run_scoped3A : memref<!tpu.dma_semaphore, #tpu.memory_space<semaphore_mem>>) src(%dma_wait3A_38 : memref<80x128xi32, #tpu.memory_space<hbm>>) dst(%arg6 : memref<80x128xi32, #tpu.memory_space<vmem>>)
      tpu.yield
    }) : () -> ()
    "tpu.region"() ({
      %run_scoped3A = tpu.sem_alloc : memref<!tpu.dma_semaphore, #tpu.memory_space<semaphore_mem>>
      %dma_start3A = arith.constant 0 : i32
      %dma_start3A_25 = arith.constant 0 : i32
      %dma_start3A_26 = tpu.memref_slice %arg4[%add3A, %dma_start3A, %dma_start3A_25] : memref<32x80x128xi32, #tpu.memory_space<hbm>> -> memref<1x80x128xi32, #tpu.memory_space<hbm>>
      %dma_start3A_27 = tpu.memref_squeeze %dma_start3A_26 : memref<1x80x128xi32, #tpu.memory_space<hbm>> -> memref<80x128xi32, #tpu.memory_space<hbm>>
      %dma_start3A_28 = arith.constant 0 : i32
      %dma_start3A_29 = arith.constant 0 : i32
      %dma_start3A_30 = tpu.memref_slice %arg4[%add3A, %dma_start3A_28, %dma_start3A_29] : memref<32x80x128xi32, #tpu.memory_space<hbm>> -> memref<1x80x128xi32, #tpu.memory_space<hbm>>
      %dma_start3A_31 = tpu.memref_squeeze %dma_start3A_30 : memref<1x80x128xi32, #tpu.memory_space<hbm>> -> memref<80x128xi32, #tpu.memory_space<hbm>>
      tpu.enqueue_dma source(%dma_start3A_31 : memref<80x128xi32, #tpu.memory_space<hbm>>) target(%arg7 : memref<80x128xi32, #tpu.memory_space<vmem>>) target_semaphore(%run_scoped3A : memref<!tpu.dma_semaphore, #tpu.memory_space<semaphore_mem>>)
      %dma_wait3A = arith.constant 0 : i32
      %dma_wait3A_32 = arith.constant 0 : i32
      %dma_wait3A_33 = tpu.memref_slice %arg4[%add3A, %dma_wait3A, %dma_wait3A_32] : memref<32x80x128xi32, #tpu.memory_space<hbm>> -> memref<1x80x128xi32, #tpu.memory_space<hbm>>
      %dma_wait3A_34 = tpu.memref_squeeze %dma_wait3A_33 : memref<1x80x128xi32, #tpu.memory_space<hbm>> -> memref<80x128xi32, #tpu.memory_space<hbm>>
      %dma_wait3A_35 = arith.constant 0 : i32
      %dma_wait3A_36 = arith.constant 0 : i32
      %dma_wait3A_37 = tpu.memref_slice %arg4[%add3A, %dma_wait3A_35, %dma_wait3A_36] : memref<32x80x128xi32, #tpu.memory_space<hbm>> -> memref<1x80x128xi32, #tpu.memory_space<hbm>>
      %dma_wait3A_38 = tpu.memref_squeeze %dma_wait3A_37 : memref<1x80x128xi32, #tpu.memory_space<hbm>> -> memref<80x128xi32, #tpu.memory_space<hbm>>
      tpu.wait_dma2 semaphore(%run_scoped3A : memref<!tpu.dma_semaphore, #tpu.memory_space<semaphore_mem>>) src(%dma_wait3A_38 : memref<80x128xi32, #tpu.memory_space<hbm>>) dst(%arg7 : memref<80x128xi32, #tpu.memory_space<vmem>>)
      tpu.yield
    }) : () -> ()
    %scan3A_18 = arith.constant 0 : i32
    %scan3A_19 = arith.constant 0 : i32
    %scan3A_20 = arith.constant 80 : i32
    %scan3A_21 = arith.addi %scan3A_19, %scan3A_20 : i32
    %scan3A_22 = arith.constant 1 : i32
    scf.for %scan3A_25 = %scan3A_19 to %scan3A_21 step %scan3A_22  : i32 {
      %dma_start3A = arith.constant 0 : i32
      %dma_start3A_26 = tpu.memref_slice %arg6[%scan3A_25, %dma_start3A] : memref<80x128xi32, #tpu.memory_space<vmem>> -> memref<1x128xi32, #tpu.memory_space<vmem>>
      %dma_start3A_27 = tpu.memref_squeeze %dma_start3A_26 : memref<1x128xi32, #tpu.memory_space<vmem>> -> memref<128xi32, #tpu.memory_space<vmem>>
      %dma_start3A_28 = arith.constant 0 : i32
      %dma_start3A_29 = arith.constant 0 : i32
      %dma_start3A_30 = tpu.memref_slice %arg2[%dma_start3A_28, %dma_start3A_29] : memref<10000x128xf32, #tpu.memory_space<hbm>> -> memref<10000x128xf32, #tpu.memory_space<hbm>>
      tpu.enqueue_indirect_dma source(%dma_start3A_30 : memref<10000x128xf32, #tpu.memory_space<hbm>>) target(%arg8 : memref<128x128xf32, #tpu.memory_space<vmem>>) offsets(%dma_start3A_27 : memref<128xi32, #tpu.memory_space<vmem>>) semaphore(%arg10 : memref<!tpu.dma_semaphore, #tpu.memory_space<semaphore_mem>>)
      %dma_wait3A = arith.constant 0 : i32
      %dma_wait3A_31 = tpu.memref_slice %arg6[%scan3A_25, %dma_wait3A] : memref<80x128xi32, #tpu.memory_space<vmem>> -> memref<1x128xi32, #tpu.memory_space<vmem>>
      %dma_wait3A_32 = tpu.memref_squeeze %dma_wait3A_31 : memref<1x128xi32, #tpu.memory_space<vmem>> -> memref<128xi32, #tpu.memory_space<vmem>>
      %dma_wait3A_33 = arith.constant 0 : i32
      %dma_wait3A_34 = arith.constant 0 : i32
      %dma_wait3A_35 = tpu.memref_slice %arg2[%dma_wait3A_33, %dma_wait3A_34] : memref<10000x128xf32, #tpu.memory_space<hbm>> -> memref<10000x128xf32, #tpu.memory_space<hbm>>
      tpu.wait_indirect_dma semaphore(%arg10 : memref<!tpu.dma_semaphore, #tpu.memory_space<semaphore_mem>>) src(%dma_wait3A_35 : memref<10000x128xf32, #tpu.memory_space<hbm>>) dst(%arg8 : memref<128x128xf32, #tpu.memory_space<vmem>>)
      "tpu.region"() ({
        %run_scoped3A = tpu.sem_alloc : memref<!tpu.dma_semaphore, #tpu.memory_space<semaphore_mem>>
        %dma_start3A_36 = arith.constant 0 : i32
        %dma_start3A_37 = tpu.memref_slice %arg7[%scan3A_25, %dma_start3A_36] : memref<80x128xi32, #tpu.memory_space<vmem>> -> memref<1x128xi32, #tpu.memory_space<vmem>>
        %dma_start3A_38 = tpu.memref_squeeze %dma_start3A_37 : memref<1x128xi32, #tpu.memory_space<vmem>> -> memref<128xi32, #tpu.memory_space<vmem>>
        %dma_start3A_39 = arith.constant 0 : i32
        %dma_start3A_40 = arith.constant 0 : i32
        %dma_start3A_41 = tpu.memref_slice %arg9[%dma_start3A_39, %dma_start3A_40] : memref<10112x128xf32, #tpu.memory_space<vmem_shared>> -> memref<10112x128xf32, #tpu.memory_space<vmem_shared>>
        tpu.enqueue_indirect_dma source(%arg8 : memref<128x128xf32, #tpu.memory_space<vmem>>) target(%dma_start3A_41 : memref<10112x128xf32, #tpu.memory_space<vmem_shared>>) offsets(%dma_start3A_38 : memref<128xi32, #tpu.memory_space<vmem>>) semaphore(%run_scoped3A : memref<!tpu.dma_semaphore, #tpu.memory_space<semaphore_mem>>) {add = true}
        %dma_wait3A_42 = arith.constant 0 : i32
        %dma_wait3A_43 = tpu.memref_slice %arg7[%scan3A_25, %dma_wait3A_42] : memref<80x128xi32, #tpu.memory_space<vmem>> -> memref<1x128xi32, #tpu.memory_space<vmem>>
        %dma_wait3A_44 = tpu.memref_squeeze %dma_wait3A_43 : memref<1x128xi32, #tpu.memory_space<vmem>> -> memref<128xi32, #tpu.memory_space<vmem>>
        %dma_wait3A_45 = arith.constant 0 : i32
        %dma_wait3A_46 = arith.constant 0 : i32
        %dma_wait3A_47 = tpu.memref_slice %arg9[%dma_wait3A_45, %dma_wait3A_46] : memref<10112x128xf32, #tpu.memory_space<vmem_shared>> -> memref<10112x128xf32, #tpu.memory_space<vmem_shared>>
        tpu.wait_indirect_dma semaphore(%run_scoped3A : memref<!tpu.dma_semaphore, #tpu.memory_space<semaphore_mem>>) src(%arg8 : memref<128x128xf32, #tpu.memory_space<vmem>>) dst(%dma_wait3A_47 : memref<10112x128xf32, #tpu.memory_space<vmem_shared>>)
        tpu.yield
      }) : () -> ()
    }
    %scan3A_23 = arith.constant 80 : i32
    %barrier3A_24 = arith.constant 0 : index
    tpu.barrier barrier_id(%barrier3A_24)
    "tpu.region"() ({
      %run_scoped3A = tpu.sem_alloc : memref<!tpu.dma_semaphore, #tpu.memory_space<semaphore_mem>>
      %dma_start3A = arith.constant 0 : i32
      %dma_start3A_25 = tpu.memref_slice %arg5[%arg0, %mul3A_7, %dma_start3A] : memref<2x10112x128xf32, #tpu.memory_space<hbm>> -> memref<1x632x128xf32, #tpu.memory_space<hbm>>
      %dma_start3A_26 = tpu.memref_squeeze %dma_start3A_25 : memref<1x632x128xf32, #tpu.memory_space<hbm>> -> memref<632x128xf32, #tpu.memory_space<hbm>>
      %dma_start3A_27 = arith.constant 0 : i32
      %dma_start3A_28 = tpu.memref_slice %arg9[%mul3A_7, %dma_start3A_27] : memref<10112x128xf32, #tpu.memory_space<vmem_shared>> -> memref<632x128xf32, #tpu.memory_space<vmem_shared>>
      tpu.enqueue_dma source(%dma_start3A_28 : memref<632x128xf32, #tpu.memory_space<vmem_shared>>) target(%dma_start3A_26 : memref<632x128xf32, #tpu.memory_space<hbm>>) target_semaphore(%run_scoped3A : memref<!tpu.dma_semaphore, #tpu.memory_space<semaphore_mem>>)
      %dma_wait3A = arith.constant 0 : i32
      %dma_wait3A_29 = tpu.memref_slice %arg5[%arg0, %mul3A_7, %dma_wait3A] : memref<2x10112x128xf32, #tpu.memory_space<hbm>> -> memref<1x632x128xf32, #tpu.memory_space<hbm>>
      %dma_wait3A_30 = tpu.memref_squeeze %dma_wait3A_29 : memref<1x632x128xf32, #tpu.memory_space<hbm>> -> memref<632x128xf32, #tpu.memory_space<hbm>>
      %dma_wait3A_31 = arith.constant 0 : i32
      %dma_wait3A_32 = tpu.memref_slice %arg9[%mul3A_7, %dma_wait3A_31] : memref<10112x128xf32, #tpu.memory_space<vmem_shared>> -> memref<632x128xf32, #tpu.memory_space<vmem_shared>>
      tpu.wait_dma2 semaphore(%run_scoped3A : memref<!tpu.dma_semaphore, #tpu.memory_space<semaphore_mem>>) src(%dma_wait3A_32 : memref<632x128xf32, #tpu.memory_space<vmem_shared>>) dst(%dma_wait3A_30 : memref<632x128xf32, #tpu.memory_space<hbm>>)
      tpu.yield
    }) : () -> ()
    return
  }
}

#map = affine_map<(d0, d1) -> (0, 0)>
#map1 = affine_map<(d0, d1) -> (0, 0, 0)>
module attributes {stable_mosaic.version = 14 : i64} {
  func.func @seg_kernel(%arg0: i32, %arg1: i32, %arg2: memref<10000x128xf32, #tpu.memory_space<hbm>>, %arg3: memref<32x80x128xi32, #tpu.memory_space<hbm>>, %arg4: memref<32x80x128xi32, #tpu.memory_space<hbm>>, %arg5: memref<2x10112x128xf32, #tpu.memory_space<hbm>>, %arg6: memref<80x128xi32, #tpu.memory_space<vmem>>, %arg7: memref<80x128xi32, #tpu.memory_space<vmem>>, %arg8: memref<128x128xf32, #tpu.memory_space<vmem>>, %arg9: memref<10112x128xf32, #tpu.memory_space<vmem_shared>>, %arg10: memref<!tpu.dma_semaphore, #tpu.memory_space<semaphore_mem>>) attributes {dimension_semantics = [#tpu.dimension_semantics<core_parallel>, #tpu.dimension_semantics<subcore_parallel>], iteration_bounds = array<i64: 2, 16>, scalar_prefetch = 0 : i64, scratch_operands = 5 : i64, tpu.core_type = #tpu.core_type<sc_vector_subcore>, window_params = [{transform_indices = #map}, {transform_indices = #map1}, {transform_indices = #map1}, {transform_indices = #map1}]} {
    %mul3A = arith.constant 2 : i32
    %mul3A_0 = arith.muli %arg1, %mul3A : i32
    %add3A = arith.addi %mul3A_0, %arg0 : i32
    %scan3A = arith.constant 0 : i32
    %scan3A_1 = arith.constant 0 : i32
    %scan3A_2 = arith.constant 128 : i32
    %scan3A_3 = arith.addi %scan3A_1, %scan3A_2 : i32
    %scan3A_4 = arith.constant 1 : i32
    scf.for %scan3A_25 = %scan3A_1 to %scan3A_3 step %scan3A_4  : i32 {
      %broadcast_in_dim3A = arith.constant 0.000000e+00 : f32
      %broadcast_in_dim3A_26 = vector.broadcast %broadcast_in_dim3A : f32 to vector<16xf32>
      %swap3A = arith.index_cast %scan3A_25 : i32 to index
      %swap3A_27 = arith.constant 0 : index
      %swap3A_28 = tpu.vector_load %arg8[%swap3A, %swap3A_27] {strides = array<i32>} : memref<128x128xf32, #tpu.memory_space<vmem>>, vector<1x16xf32>,
      %swap3A_29 = vector.shape_cast %swap3A_28 : vector<1x16xf32> to vector<16xf32>
      %swap3A_30 = vector.shape_cast %broadcast_in_dim3A_26 : vector<16xf32> to vector<1x16xf32>
      tpu.vector_store %arg8[%swap3A, %swap3A_27], %swap3A_30 {strides = array<i32>} : memref<128x128xf32, #tpu.memory_space<vmem>>, vector<1x16xf32>,
      %broadcast_in_dim3A_31 = arith.constant 0.000000e+00 : f32
      %broadcast_in_dim3A_32 = vector.broadcast %broadcast_in_dim3A_31 : f32 to vector<16xf32>
      %swap3A_33 = arith.index_cast %scan3A_25 : i32 to index
      %swap3A_34 = arith.constant 16 : index
      %swap3A_35 = tpu.vector_load %arg8[%swap3A_33, %swap3A_34] {strides = array<i32>} : memref<128x128xf32, #tpu.memory_space<vmem>>, vector<1x16xf32>,
      %swap3A_36 = vector.shape_cast %swap3A_35 : vector<1x16xf32> to vector<16xf32>
      %swap3A_37 = vector.shape_cast %broadcast_in_dim3A_32 : vector<16xf32> to vector<1x16xf32>
      tpu.vector_store %arg8[%swap3A_33, %swap3A_34], %swap3A_37 {strides = array<i32>} : memref<128x128xf32, #tpu.memory_space<vmem>>, vector<1x16xf32>,
      %broadcast_in_dim3A_38 = arith.constant 0.000000e+00 : f32
      %broadcast_in_dim3A_39 = vector.broadcast %broadcast_in_dim3A_38 : f32 to vector<16xf32>
      %swap3A_40 = arith.index_cast %scan3A_25 : i32 to index
      %swap3A_41 = arith.constant 32 : index
      %swap3A_42 = tpu.vector_load %arg8[%swap3A_40, %swap3A_41] {strides = array<i32>} : memref<128x128xf32, #tpu.memory_space<vmem>>, vector<1x16xf32>,
      %swap3A_43 = vector.shape_cast %swap3A_42 : vector<1x16xf32> to vector<16xf32>
      %swap3A_44 = vector.shape_cast %broadcast_in_dim3A_39 : vector<16xf32> to vector<1x16xf32>
      tpu.vector_store %arg8[%swap3A_40, %swap3A_41], %swap3A_44 {strides = array<i32>} : memref<128x128xf32, #tpu.memory_space<vmem>>, vector<1x16xf32>,
      %broadcast_in_dim3A_45 = arith.constant 0.000000e+00 : f32
      %broadcast_in_dim3A_46 = vector.broadcast %broadcast_in_dim3A_45 : f32 to vector<16xf32>
      %swap3A_47 = arith.index_cast %scan3A_25 : i32 to index
      %swap3A_48 = arith.constant 48 : index
      %swap3A_49 = tpu.vector_load %arg8[%swap3A_47, %swap3A_48] {strides = array<i32>} : memref<128x128xf32, #tpu.memory_space<vmem>>, vector<1x16xf32>,
      %swap3A_50 = vector.shape_cast %swap3A_49 : vector<1x16xf32> to vector<16xf32>
      %swap3A_51 = vector.shape_cast %broadcast_in_dim3A_46 : vector<16xf32> to vector<1x16xf32>
      tpu.vector_store %arg8[%swap3A_47, %swap3A_48], %swap3A_51 {strides = array<i32>} : memref<128x128xf32, #tpu.memory_space<vmem>>, vector<1x16xf32>,
      %broadcast_in_dim3A_52 = arith.constant 0.000000e+00 : f32
      %broadcast_in_dim3A_53 = vector.broadcast %broadcast_in_dim3A_52 : f32 to vector<16xf32>
      %swap3A_54 = arith.index_cast %scan3A_25 : i32 to index
      %swap3A_55 = arith.constant 64 : index
      %swap3A_56 = tpu.vector_load %arg8[%swap3A_54, %swap3A_55] {strides = array<i32>} : memref<128x128xf32, #tpu.memory_space<vmem>>, vector<1x16xf32>,
      %swap3A_57 = vector.shape_cast %swap3A_56 : vector<1x16xf32> to vector<16xf32>
      %swap3A_58 = vector.shape_cast %broadcast_in_dim3A_53 : vector<16xf32> to vector<1x16xf32>
      tpu.vector_store %arg8[%swap3A_54, %swap3A_55], %swap3A_58 {strides = array<i32>} : memref<128x128xf32, #tpu.memory_space<vmem>>, vector<1x16xf32>,
      %broadcast_in_dim3A_59 = arith.constant 0.000000e+00 : f32
      %broadcast_in_dim3A_60 = vector.broadcast %broadcast_in_dim3A_59 : f32 to vector<16xf32>
      %swap3A_61 = arith.index_cast %scan3A_25 : i32 to index
      %swap3A_62 = arith.constant 80 : index
      %swap3A_63 = tpu.vector_load %arg8[%swap3A_61, %swap3A_62] {strides = array<i32>} : memref<128x128xf32, #tpu.memory_space<vmem>>, vector<1x16xf32>,
      %swap3A_64 = vector.shape_cast %swap3A_63 : vector<1x16xf32> to vector<16xf32>
      %swap3A_65 = vector.shape_cast %broadcast_in_dim3A_60 : vector<16xf32> to vector<1x16xf32>
      tpu.vector_store %arg8[%swap3A_61, %swap3A_62], %swap3A_65 {strides = array<i32>} : memref<128x128xf32, #tpu.memory_space<vmem>>, vector<1x16xf32>,
      %broadcast_in_dim3A_66 = arith.constant 0.000000e+00 : f32
      %broadcast_in_dim3A_67 = vector.broadcast %broadcast_in_dim3A_66 : f32 to vector<16xf32>
      %swap3A_68 = arith.index_cast %scan3A_25 : i32 to index
      %swap3A_69 = arith.constant 96 : index
      %swap3A_70 = tpu.vector_load %arg8[%swap3A_68, %swap3A_69] {strides = array<i32>} : memref<128x128xf32, #tpu.memory_space<vmem>>, vector<1x16xf32>,
      %swap3A_71 = vector.shape_cast %swap3A_70 : vector<1x16xf32> to vector<16xf32>
      %swap3A_72 = vector.shape_cast %broadcast_in_dim3A_67 : vector<16xf32> to vector<1x16xf32>
      tpu.vector_store %arg8[%swap3A_68, %swap3A_69], %swap3A_72 {strides = array<i32>} : memref<128x128xf32, #tpu.memory_space<vmem>>, vector<1x16xf32>,
      %broadcast_in_dim3A_73 = arith.constant 0.000000e+00 : f32
      %broadcast_in_dim3A_74 = vector.broadcast %broadcast_in_dim3A_73 : f32 to vector<16xf32>
      %swap3A_75 = arith.index_cast %scan3A_25 : i32 to index
      %swap3A_76 = arith.constant 112 : index
      %swap3A_77 = tpu.vector_load %arg8[%swap3A_75, %swap3A_76] {strides = array<i32>} : memref<128x128xf32, #tpu.memory_space<vmem>>, vector<1x16xf32>,
      %swap3A_78 = vector.shape_cast %swap3A_77 : vector<1x16xf32> to vector<16xf32>
      %swap3A_79 = vector.shape_cast %broadcast_in_dim3A_74 : vector<16xf32> to vector<1x16xf32>
      tpu.vector_store %arg8[%swap3A_75, %swap3A_76], %swap3A_79 {strides = array<i32>} : memref<128x128xf32, #tpu.memory_space<vmem>>, vector<1x16xf32>,
    }
    %scan3A_5 = arith.constant 128 : i32
    %mul3A_6 = arith.constant 632 : i32
    %mul3A_7 = arith.muli %arg1, %mul3A_6 : i32
    %add3A_8 = arith.constant 0 : i32
    %add3A_9 = arith.addi %mul3A_7, %add3A_8 : i32
    "tpu.region"() ({
      %run_scoped3A = tpu.sem_alloc : memref<!tpu.dma_semaphore, #tpu.memory_space<semaphore_mem>>
      %dma_start3A = arith.constant 0 : i32
      %dma_start3A_25 = tpu.memref_slice %arg9[%add3A_9, %dma_start3A] : memref<10112x128xf32, #tpu.memory_space<vmem_shared>> -> memref<128x128xf32, #tpu.memory_space<vmem_shared>>
      %dma_start3A_26 = arith.constant 0 : i32
      %dma_start3A_27 = tpu.memref_slice %arg9[%add3A_9, %dma_start3A_26] : memref<10112x128xf32, #tpu.memory_space<vmem_shared>> -> memref<128x128xf32, #tpu.memory_space<vmem_shared>>
      tpu.enqueue_dma source(%arg8 : memref<128x128xf32, #tpu.memory_space<vmem>>) target(%dma_start3A_27 : memref<128x128xf32, #tpu.memory_space<vmem_shared>>) target_semaphore(%run_scoped3A : memref<!tpu.dma_semaphore, #tpu.memory_space<semaphore_mem>>)
      %dma_wait3A = arith.constant 0 : i32
      %dma_wait3A_28 = tpu.memref_slice %arg9[%add3A_9, %dma_wait3A] : memref<10112x128xf32, #tpu.memory_space<vmem_shared>> -> memref<128x128xf32, #tpu.memory_space<vmem_shared>>
      %dma_wait3A_29 = arith.constant 0 : i32
      %dma_wait3A_30 = tpu.memref_slice %arg9[%add3A_9, %dma_wait3A_29] : memref<10112x128xf32, #tpu.memory_space<vmem_shared>> -> memref<128x128xf32, #tpu.memory_space<vmem_shared>>
      tpu.wait_dma2 semaphore(%run_scoped3A : memref<!tpu.dma_semaphore, #tpu.memory_space<semaphore_mem>>) src(%arg8 : memref<128x128xf32, #tpu.memory_space<vmem>>) dst(%dma_wait3A_30 : memref<128x128xf32, #tpu.memory_space<vmem_shared>>)
      tpu.yield
    }) : () -> ()
    %add3A_10 = arith.constant 128 : i32
    %add3A_11 = arith.addi %mul3A_7, %add3A_10 : i32
    "tpu.region"() ({
      %run_scoped3A = tpu.sem_alloc : memref<!tpu.dma_semaphore, #tpu.memory_space<semaphore_mem>>
      %dma_start3A = arith.constant 0 : i32
      %dma_start3A_25 = tpu.memref_slice %arg9[%add3A_11, %dma_start3A] : memref<10112x128xf32, #tpu.memory_space<vmem_shared>> -> memref<128x128xf32, #tpu.memory_space<vmem_shared>>
      %dma_start3A_26 = arith.constant 0 : i32
      %dma_start3A_27 = tpu.memref_slice %arg9[%add3A_11, %dma_start3A_26] : memref<10112x128xf32, #tpu.memory_space<vmem_shared>> -> memref<128x128xf32, #tpu.memory_space<vmem_shared>>
      tpu.enqueue_dma source(%arg8 : memref<128x128xf32, #tpu.memory_space<vmem>>) target(%dma_start3A_27 : memref<128x128xf32, #tpu.memory_space<vmem_shared>>) target_semaphore(%run_scoped3A : memref<!tpu.dma_semaphore, #tpu.memory_space<semaphore_mem>>)
      %dma_wait3A = arith.constant 0 : i32
      %dma_wait3A_28 = tpu.memref_slice %arg9[%add3A_11, %dma_wait3A] : memref<10112x128xf32, #tpu.memory_space<vmem_shared>> -> memref<128x128xf32, #tpu.memory_space<vmem_shared>>
      %dma_wait3A_29 = arith.constant 0 : i32
      %dma_wait3A_30 = tpu.memref_slice %arg9[%add3A_11, %dma_wait3A_29] : memref<10112x128xf32, #tpu.memory_space<vmem_shared>> -> memref<128x128xf32, #tpu.memory_space<vmem_shared>>
      tpu.wait_dma2 semaphore(%run_scoped3A : memref<!tpu.dma_semaphore, #tpu.memory_space<semaphore_mem>>) src(%arg8 : memref<128x128xf32, #tpu.memory_space<vmem>>) dst(%dma_wait3A_30 : memref<128x128xf32, #tpu.memory_space<vmem_shared>>)
      tpu.yield
    }) : () -> ()
    %add3A_12 = arith.constant 256 : i32
    %add3A_13 = arith.addi %mul3A_7, %add3A_12 : i32
    "tpu.region"() ({
      %run_scoped3A = tpu.sem_alloc : memref<!tpu.dma_semaphore, #tpu.memory_space<semaphore_mem>>
      %dma_start3A = arith.constant 0 : i32
      %dma_start3A_25 = tpu.memref_slice %arg9[%add3A_13, %dma_start3A] : memref<10112x128xf32, #tpu.memory_space<vmem_shared>> -> memref<128x128xf32, #tpu.memory_space<vmem_shared>>
      %dma_start3A_26 = arith.constant 0 : i32
      %dma_start3A_27 = tpu.memref_slice %arg9[%add3A_13, %dma_start3A_26] : memref<10112x128xf32, #tpu.memory_space<vmem_shared>> -> memref<128x128xf32, #tpu.memory_space<vmem_shared>>
      tpu.enqueue_dma source(%arg8 : memref<128x128xf32, #tpu.memory_space<vmem>>) target(%dma_start3A_27 : memref<128x128xf32, #tpu.memory_space<vmem_shared>>) target_semaphore(%run_scoped3A : memref<!tpu.dma_semaphore, #tpu.memory_space<semaphore_mem>>)
      %dma_wait3A = arith.constant 0 : i32
      %dma_wait3A_28 = tpu.memref_slice %arg9[%add3A_13, %dma_wait3A] : memref<10112x128xf32, #tpu.memory_space<vmem_shared>> -> memref<128x128xf32, #tpu.memory_space<vmem_shared>>
      %dma_wait3A_29 = arith.constant 0 : i32
      %dma_wait3A_30 = tpu.memref_slice %arg9[%add3A_13, %dma_wait3A_29] : memref<10112x128xf32, #tpu.memory_space<vmem_shared>> -> memref<128x128xf32, #tpu.memory_space<vmem_shared>>
      tpu.wait_dma2 semaphore(%run_scoped3A : memref<!tpu.dma_semaphore, #tpu.memory_space<semaphore_mem>>) src(%arg8 : memref<128x128xf32, #tpu.memory_space<vmem>>) dst(%dma_wait3A_30 : memref<128x128xf32, #tpu.memory_space<vmem_shared>>)
      tpu.yield
    }) : () -> ()
    %add3A_14 = arith.constant 384 : i32
    %add3A_15 = arith.addi %mul3A_7, %add3A_14 : i32
    "tpu.region"() ({
      %run_scoped3A = tpu.sem_alloc : memref<!tpu.dma_semaphore, #tpu.memory_space<semaphore_mem>>
      %dma_start3A = arith.constant 0 : i32
      %dma_start3A_25 = tpu.memref_slice %arg9[%add3A_15, %dma_start3A] : memref<10112x128xf32, #tpu.memory_space<vmem_shared>> -> memref<128x128xf32, #tpu.memory_space<vmem_shared>>
      %dma_start3A_26 = arith.constant 0 : i32
      %dma_start3A_27 = tpu.memref_slice %arg9[%add3A_15, %dma_start3A_26] : memref<10112x128xf32, #tpu.memory_space<vmem_shared>> -> memref<128x128xf32, #tpu.memory_space<vmem_shared>>
      tpu.enqueue_dma source(%arg8 : memref<128x128xf32, #tpu.memory_space<vmem>>) target(%dma_start3A_27 : memref<128x128xf32, #tpu.memory_space<vmem_shared>>) target_semaphore(%run_scoped3A : memref<!tpu.dma_semaphore, #tpu.memory_space<semaphore_mem>>)
      %dma_wait3A = arith.constant 0 : i32
      %dma_wait3A_28 = tpu.memref_slice %arg9[%add3A_15, %dma_wait3A] : memref<10112x128xf32, #tpu.memory_space<vmem_shared>> -> memref<128x128xf32, #tpu.memory_space<vmem_shared>>
      %dma_wait3A_29 = arith.constant 0 : i32
      %dma_wait3A_30 = tpu.memref_slice %arg9[%add3A_15, %dma_wait3A_29] : memref<10112x128xf32, #tpu.memory_space<vmem_shared>> -> memref<128x128xf32, #tpu.memory_space<vmem_shared>>
      tpu.wait_dma2 semaphore(%run_scoped3A : memref<!tpu.dma_semaphore, #tpu.memory_space<semaphore_mem>>) src(%arg8 : memref<128x128xf32, #tpu.memory_space<vmem>>) dst(%dma_wait3A_30 : memref<128x128xf32, #tpu.memory_space<vmem_shared>>)
      tpu.yield
    }) : () -> ()
    %add3A_16 = arith.constant 512 : i32
    %add3A_17 = arith.addi %mul3A_7, %add3A_16 : i32
    "tpu.region"() ({
      %run_scoped3A = tpu.sem_alloc : memref<!tpu.dma_semaphore, #tpu.memory_space<semaphore_mem>>
      %dma_start3A = arith.constant 0 : i32
      %dma_start3A_25 = arith.constant 0 : i32
      %dma_start3A_26 = tpu.memref_slice %arg8[%dma_start3A, %dma_start3A_25] : memref<128x128xf32, #tpu.memory_space<vmem>> -> memref<120x128xf32, #tpu.memory_space<vmem>>
      %dma_start3A_27 = arith.constant 0 : i32
      %dma_start3A_28 = tpu.memref_slice %arg9[%add3A_17, %dma_start3A_27] : memref<10112x128xf32, #tpu.memory_space<vmem_shared>> -> memref<120x128xf32, #tpu.memory_space<vmem_shared>>
      %dma_start3A_29 = arith.constant 0 : i32
      %dma_start3A_30 = tpu.memref_slice %arg9[%add3A_17, %dma_start3A_29] : memref<10112x128xf32, #tpu.memory_space<vmem_shared>> -> memref<120x128xf32, #tpu.memory_space<vmem_shared>>
      %dma_start3A_31 = arith.constant 0 : i32
      %dma_start3A_32 = arith.constant 0 : i32
      %dma_start3A_33 = tpu.memref_slice %arg8[%dma_start3A_31, %dma_start3A_32] : memref<128x128xf32, #tpu.memory_space<vmem>> -> memref<120x128xf32, #tpu.memory_space<vmem>>
      tpu.enqueue_dma source(%dma_start3A_33 : memref<120x128xf32, #tpu.memory_space<vmem>>) target(%dma_start3A_30 : memref<120x128xf32, #tpu.memory_space<vmem_shared>>) target_semaphore(%run_scoped3A : memref<!tpu.dma_semaphore, #tpu.memory_space<semaphore_mem>>)
      %dma_wait3A = arith.constant 0 : i32
      %dma_wait3A_34 = arith.constant 0 : i32
      %dma_wait3A_35 = tpu.memref_slice %arg8[%dma_wait3A, %dma_wait3A_34] : memref<128x128xf32, #tpu.memory_space<vmem>> -> memref<120x128xf32, #tpu.memory_space<vmem>>
      %dma_wait3A_36 = arith.constant 0 : i32
      %dma_wait3A_37 = tpu.memref_slice %arg9[%add3A_17, %dma_wait3A_36] : memref<10112x128xf32, #tpu.memory_space<vmem_shared>> -> memref<120x128xf32, #tpu.memory_space<vmem_shared>>
      %dma_wait3A_38 = arith.constant 0 : i32
      %dma_wait3A_39 = tpu.memref_slice %arg9[%add3A_17, %dma_wait3A_38] : memref<10112x128xf32, #tpu.memory_space<vmem_shared>> -> memref<120x128xf32, #tpu.memory_space<vmem_shared>>
      %dma_wait3A_40 = arith.constant 0 : i32
      %dma_wait3A_41 = arith.constant 0 : i32
      %dma_wait3A_42 = tpu.memref_slice %arg8[%dma_wait3A_40, %dma_wait3A_41] : memref<128x128xf32, #tpu.memory_space<vmem>> -> memref<120x128xf32, #tpu.memory_space<vmem>>
      tpu.wait_dma2 semaphore(%run_scoped3A : memref<!tpu.dma_semaphore, #tpu.memory_space<semaphore_mem>>) src(%dma_wait3A_42 : memref<120x128xf32, #tpu.memory_space<vmem>>) dst(%dma_wait3A_39 : memref<120x128xf32, #tpu.memory_space<vmem_shared>>)
      tpu.yield
    }) : () -> ()
    %barrier3A = arith.constant 0 : index
    tpu.barrier barrier_id(%barrier3A)
    "tpu.region"() ({
      %run_scoped3A = tpu.sem_alloc : memref<!tpu.dma_semaphore, #tpu.memory_space<semaphore_mem>>
      %dma_start3A = arith.constant 0 : i32
      %dma_start3A_25 = arith.constant 0 : i32
      %dma_start3A_26 = tpu.memref_slice %arg3[%add3A, %dma_start3A, %dma_start3A_25] : memref<32x80x128xi32, #tpu.memory_space<hbm>> -> memref<1x80x128xi32, #tpu.memory_space<hbm>>
      %dma_start3A_27 = tpu.memref_squeeze %dma_start3A_26 : memref<1x80x128xi32, #tpu.memory_space<hbm>> -> memref<80x128xi32, #tpu.memory_space<hbm>>
      %dma_start3A_28 = arith.constant 0 : i32
      %dma_start3A_29 = arith.constant 0 : i32
      %dma_start3A_30 = tpu.memref_slice %arg3[%add3A, %dma_start3A_28, %dma_start3A_29] : memref<32x80x128xi32, #tpu.memory_space<hbm>> -> memref<1x80x128xi32, #tpu.memory_space<hbm>>
      %dma_start3A_31 = tpu.memref_squeeze %dma_start3A_30 : memref<1x80x128xi32, #tpu.memory_space<hbm>> -> memref<80x128xi32, #tpu.memory_space<hbm>>
      tpu.enqueue_dma source(%dma_start3A_31 : memref<80x128xi32, #tpu.memory_space<hbm>>) target(%arg6 : memref<80x128xi32, #tpu.memory_space<vmem>>) target_semaphore(%run_scoped3A : memref<!tpu.dma_semaphore, #tpu.memory_space<semaphore_mem>>)
      %dma_wait3A = arith.constant 0 : i32
      %dma_wait3A_32 = arith.constant 0 : i32
      %dma_wait3A_33 = tpu.memref_slice %arg3[%add3A, %dma_wait3A, %dma_wait3A_32] : memref<32x80x128xi32, #tpu.memory_space<hbm>> -> memref<1x80x128xi32, #tpu.memory_space<hbm>>
      %dma_wait3A_34 = tpu.memref_squeeze %dma_wait3A_33 : memref<1x80x128xi32, #tpu.memory_space<hbm>> -> memref<80x128xi32, #tpu.memory_space<hbm>>
      %dma_wait3A_35 = arith.constant 0 : i32
      %dma_wait3A_36 = arith.constant 0 : i32
      %dma_wait3A_37 = tpu.memref_slice %arg3[%add3A, %dma_wait3A_35, %dma_wait3A_36] : memref<32x80x128xi32, #tpu.memory_space<hbm>> -> memref<1x80x128xi32, #tpu.memory_space<hbm>>
      %dma_wait3A_38 = tpu.memref_squeeze %dma_wait3A_37 : memref<1x80x128xi32, #tpu.memory_space<hbm>> -> memref<80x128xi32, #tpu.memory_space<hbm>>
      tpu.wait_dma2 semaphore(%run_scoped3A : memref<!tpu.dma_semaphore, #tpu.memory_space<semaphore_mem>>) src(%dma_wait3A_38 : memref<80x128xi32, #tpu.memory_space<hbm>>) dst(%arg6 : memref<80x128xi32, #tpu.memory_space<vmem>>)
      tpu.yield
    }) : () -> ()
    "tpu.region"() ({
      %run_scoped3A = tpu.sem_alloc : memref<!tpu.dma_semaphore, #tpu.memory_space<semaphore_mem>>
      %dma_start3A = arith.constant 0 : i32
      %dma_start3A_25 = arith.constant 0 : i32
      %dma_start3A_26 = tpu.memref_slice %arg4[%add3A, %dma_start3A, %dma_start3A_25] : memref<32x80x128xi32, #tpu.memory_space<hbm>> -> memref<1x80x128xi32, #tpu.memory_space<hbm>>
      %dma_start3A_27 = tpu.memref_squeeze %dma_start3A_26 : memref<1x80x128xi32, #tpu.memory_space<hbm>> -> memref<80x128xi32, #tpu.memory_space<hbm>>
      %dma_start3A_28 = arith.constant 0 : i32
      %dma_start3A_29 = arith.constant 0 : i32
      %dma_start3A_30 = tpu.memref_slice %arg4[%add3A, %dma_start3A_28, %dma_start3A_29] : memref<32x80x128xi32, #tpu.memory_space<hbm>> -> memref<1x80x128xi32, #tpu.memory_space<hbm>>
      %dma_start3A_31 = tpu.memref_squeeze %dma_start3A_30 : memref<1x80x128xi32, #tpu.memory_space<hbm>> -> memref<80x128xi32, #tpu.memory_space<hbm>>
      tpu.enqueue_dma source(%dma_start3A_31 : memref<80x128xi32, #tpu.memory_space<hbm>>) target(%arg7 : memref<80x128xi32, #tpu.memory_space<vmem>>) target_semaphore(%run_scoped3A : memref<!tpu.dma_semaphore, #tpu.memory_space<semaphore_mem>>)
      %dma_wait3A = arith.constant 0 : i32
      %dma_wait3A_32 = arith.constant 0 : i32
      %dma_wait3A_33 = tpu.memref_slice %arg4[%add3A, %dma_wait3A, %dma_wait3A_32] : memref<32x80x128xi32, #tpu.memory_space<hbm>> -> memref<1x80x128xi32, #tpu.memory_space<hbm>>
      %dma_wait3A_34 = tpu.memref_squeeze %dma_wait3A_33 : memref<1x80x128xi32, #tpu.memory_space<hbm>> -> memref<80x128xi32, #tpu.memory_space<hbm>>
      %dma_wait3A_35 = arith.constant 0 : i32
      %dma_wait3A_36 = arith.constant 0 : i32
      %dma_wait3A_37 = tpu.memref_slice %arg4[%add3A, %dma_wait3A_35, %dma_wait3A_36] : memref<32x80x128xi32, #tpu.memory_space<hbm>> -> memref<1x80x128xi32, #tpu.memory_space<hbm>>
      %dma_wait3A_38 = tpu.memref_squeeze %dma_wait3A_37 : memref<1x80x128xi32, #tpu.memory_space<hbm>> -> memref<80x128xi32, #tpu.memory_space<hbm>>
      tpu.wait_dma2 semaphore(%run_scoped3A : memref<!tpu.dma_semaphore, #tpu.memory_space<semaphore_mem>>) src(%dma_wait3A_38 : memref<80x128xi32, #tpu.memory_space<hbm>>) dst(%arg7 : memref<80x128xi32, #tpu.memory_space<vmem>>)
      tpu.yield
    }) : () -> ()
    %scan3A_18 = arith.constant 0 : i32
    %scan3A_19 = arith.constant 0 : i32
    %scan3A_20 = arith.constant 80 : i32
    %scan3A_21 = arith.addi %scan3A_19, %scan3A_20 : i32
    %scan3A_22 = arith.constant 1 : i32
    scf.for %scan3A_25 = %scan3A_19 to %scan3A_21 step %scan3A_22  : i32 {
      %dma_start3A = arith.constant 0 : i32
      %dma_start3A_26 = tpu.memref_slice %arg6[%scan3A_25, %dma_start3A] : memref<80x128xi32, #tpu.memory_space<vmem>> -> memref<1x128xi32, #tpu.memory_space<vmem>>
      %dma_start3A_27 = tpu.memref_squeeze %dma_start3A_26 : memref<1x128xi32, #tpu.memory_space<vmem>> -> memref<128xi32, #tpu.memory_space<vmem>>
      %dma_start3A_28 = arith.constant 0 : i32
      %dma_start3A_29 = arith.constant 0 : i32
      %dma_start3A_30 = tpu.memref_slice %arg2[%dma_start3A_28, %dma_start3A_29] : memref<10000x128xf32, #tpu.memory_space<hbm>> -> memref<10000x128xf32, #tpu.memory_space<hbm>>
      tpu.enqueue_indirect_dma source(%dma_start3A_30 : memref<10000x128xf32, #tpu.memory_space<hbm>>) target(%arg8 : memref<128x128xf32, #tpu.memory_space<vmem>>) offsets(%dma_start3A_27 : memref<128xi32, #tpu.memory_space<vmem>>) semaphore(%arg10 : memref<!tpu.dma_semaphore, #tpu.memory_space<semaphore_mem>>)
      %dma_wait3A = arith.constant 0 : i32
      %dma_wait3A_31 = tpu.memref_slice %arg6[%scan3A_25, %dma_wait3A] : memref<80x128xi32, #tpu.memory_space<vmem>> -> memref<1x128xi32, #tpu.memory_space<vmem>>
      %dma_wait3A_32 = tpu.memref_squeeze %dma_wait3A_31 : memref<1x128xi32, #tpu.memory_space<vmem>> -> memref<128xi32, #tpu.memory_space<vmem>>
      %dma_wait3A_33 = arith.constant 0 : i32
      %dma_wait3A_34 = arith.constant 0 : i32
      %dma_wait3A_35 = tpu.memref_slice %arg2[%dma_wait3A_33, %dma_wait3A_34] : memref<10000x128xf32, #tpu.memory_space<hbm>> -> memref<10000x128xf32, #tpu.memory_space<hbm>>
      tpu.wait_indirect_dma semaphore(%arg10 : memref<!tpu.dma_semaphore, #tpu.memory_space<semaphore_mem>>) src(%dma_wait3A_35 : memref<10000x128xf32, #tpu.memory_space<hbm>>) dst(%arg8 : memref<128x128xf32, #tpu.memory_space<vmem>>)
      "tpu.region"() ({
        %run_scoped3A = tpu.sem_alloc : memref<!tpu.dma_semaphore, #tpu.memory_space<semaphore_mem>>
        %dma_start3A_36 = arith.constant 0 : i32
        %dma_start3A_37 = tpu.memref_slice %arg7[%scan3A_25, %dma_start3A_36] : memref<80x128xi32, #tpu.memory_space<vmem>> -> memref<1x128xi32, #tpu.memory_space<vmem>>
        %dma_start3A_38 = tpu.memref_squeeze %dma_start3A_37 : memref<1x128xi32, #tpu.memory_space<vmem>> -> memref<128xi32, #tpu.memory_space<vmem>>
        %dma_start3A_39 = arith.constant 0 : i32
        %dma_start3A_40 = arith.constant 0 : i32
        %dma_start3A_41 = tpu.memref_slice %arg9[%dma_start3A_39, %dma_start3A_40] : memref<10112x128xf32, #tpu.memory_space<vmem_shared>> -> memref<10112x128xf32, #tpu.memory_space<vmem_shared>>
        tpu.enqueue_indirect_dma source(%arg8 : memref<128x128xf32, #tpu.memory_space<vmem>>) target(%dma_start3A_41 : memref<10112x128xf32, #tpu.memory_space<vmem_shared>>) offsets(%dma_start3A_38 : memref<128xi32, #tpu.memory_space<vmem>>) semaphore(%run_scoped3A : memref<!tpu.dma_semaphore, #tpu.memory_space<semaphore_mem>>) {add = true}
        %dma_wait3A_42 = arith.constant 0 : i32
        %dma_wait3A_43 = tpu.memref_slice %arg7[%scan3A_25, %dma_wait3A_42] : memref<80x128xi32, #tpu.memory_space<vmem>> -> memref<1x128xi32, #tpu.memory_space<vmem>>
        %dma_wait3A_44 = tpu.memref_squeeze %dma_wait3A_43 : memref<1x128xi32, #tpu.memory_space<vmem>> -> memref<128xi32, #tpu.memory_space<vmem>>
        %dma_wait3A_45 = arith.constant 0 : i32
        %dma_wait3A_46 = arith.constant 0 : i32
        %dma_wait3A_47 = tpu.memref_slice %arg9[%dma_wait3A_45, %dma_wait3A_46] : memref<10112x128xf32, #tpu.memory_space<vmem_shared>> -> memref<10112x128xf32, #tpu.memory_space<vmem_shared>>
        tpu.wait_indirect_dma semaphore(%run_scoped3A : memref<!tpu.dma_semaphore, #tpu.memory_space<semaphore_mem>>) src(%arg8 : memref<128x128xf32, #tpu.memory_space<vmem>>) dst(%dma_wait3A_47 : memref<10112x128xf32, #tpu.memory_space<vmem_shared>>)
        tpu.yield
      }) : () -> ()
    }
    %scan3A_23 = arith.constant 80 : i32
    %barrier3A_24 = arith.constant 0 : index
    tpu.barrier barrier_id(%barrier3A_24)
    "tpu.region"() ({
      %run_scoped3A = tpu.sem_alloc : memref<!tpu.dma_semaphore, #tpu.memory_space<semaphore_mem>>
      %dma_start3A = arith.constant 0 : i32
      %dma_start3A_25 = tpu.memref_slice %arg5[%arg0, %mul3A_7, %dma_start3A] : memref<2x10112x128xf32, #tpu.memory_space<hbm>> -> memref<1x632x128xf32, #tpu.memory_space<hbm>>
      %dma_start3A_26 = tpu.memref_squeeze %dma_start3A_25 : memref<1x632x128xf32, #tpu.memory_space<hbm>> -> memref<632x128xf32, #tpu.memory_space<hbm>>
      %dma_start3A_27 = arith.constant 0 : i32
      %dma_start3A_28 = tpu.memref_slice %arg9[%mul3A_7, %dma_start3A_27] : memref<10112x128xf32, #tpu.memory_space<vmem_shared>> -> memref<632x128xf32, #tpu.memory_space<vmem_shared>>
      tpu.enqueue_dma source(%dma_start3A_28 : memref<632x128xf32, #tpu.memory_space<vmem_shared>>) target(%dma_start3A_26 : memref<632x128xf32, #tpu.memory_space<hbm>>) target_semaphore(%run_scoped3A : memref<!tpu.dma_semaphore, #tpu.memory_space<semaphore_mem>>)
      %dma_wait3A = arith.constant 0 : i32
      %dma_wait3A_29 = tpu.memref_slice %arg5[%arg0, %mul3A_7, %dma_wait3A] : memref<2x10112x128xf32, #tpu.memory_space<hbm>> -> memref<1x632x128xf32, #tpu.memory_space<hbm>>
      %dma_wait3A_30 = tpu.memref_squeeze %dma_wait3A_29 : memref<1x632x128xf32, #tpu.memory_space<hbm>> -> memref<632x128xf32, #tpu.memory_space<hbm>>
      %dma_wait3A_31 = arith.constant 0 : i32
      %dma_wait3A_32 = tpu.memref_slice %arg9[%mul3A_7, %dma_wait3A_31] : memref<10112x128xf32, #tpu.memory_space<vmem_shared>> -> memref<632x128xf32, #tpu.memory_space<vmem_shared>>
      tpu.wait_dma2 semaphore(%run_scoped3A : memref<!tpu.dma_semaphore, #tpu.memory_space<semaphore_mem>>) src(%dma_wait3A_32 : memref<632x128xf32, #tpu.memory_space<vmem_shared>>) dst(%dma_wait3A_30 : memref<632x128xf32, #tpu.memory_space<hbm>>)
      tpu.yield
    }) : () -> ()
    return
  }
}

module attributes {stable_mosaic.version = 14 : i64} {
  func.func @body(%arg0: i32, %arg1: memref<2000x128xf32, #tpu.memory_space<vmem>>, %arg2: memref<128x128xf32, #tpu.memory_space<vmem>>, %arg3: memref<1x128xf32, #tpu.memory_space<vmem>>, %arg4: memref<2000x128xf32, #tpu.memory_space<vmem>>) attributes {dimension_semantics = [#tpu.dimension_semantics<arbitrary>], iteration_bounds = array<i64: 5>, scalar_prefetch = 0 : i64, scratch_operands = 0 : i64, tpu.core_type = #tpu.core_type<tc>, window_params = [{transform_indices = @transform_0, window_bounds = array<i64: 2000, 128>}, {pipeline_mode = #tpu.pipeline_mode<synchronous>, transform_indices = @transform_1, window_bounds = array<i64: 128, 128>}, {pipeline_mode = #tpu.pipeline_mode<synchronous>, transform_indices = @transform_2, window_bounds = array<i64: 1, 128>}, {transform_indices = @transform_3, window_bounds = array<i64: 2000, 128>}]} {
    %get3A = arith.constant 0 : index
    %get3A_0 = arith.constant 0 : index
    %get3A_1 = vector.load %arg1[%get3A, %get3A_0] : memref<2000x128xf32, #tpu.memory_space<vmem>>, vector<2000x128xf32>
    %get3A_2 = arith.constant 0 : index
    %get3A_3 = arith.constant 0 : index
    %get3A_4 = vector.load %arg2[%get3A_2, %get3A_3] : memref<128x128xf32, #tpu.memory_space<vmem>>, vector<128x128xf32>
    %dot_general3A = arith.constant dense<0.000000e+00> : vector<2000x128xf32>
    %dot_general3A_5 = tpu.matmul %get3A_1, %get3A_4, %dot_general3A {dimension_numbers = #tpu.dot_dimension_numbers<[1], [0], [0], [1], [0, 0, 1, 1], [], []>, transpose_lhs_hint = false} : vector<2000x128xf32>, vector<128x128xf32>, vector<2000x128xf32> -> vector<2000x128xf32>
    %get3A_6 = arith.constant 0 : index
    %get3A_7 = arith.constant 0 : index
    %get3A_8 = vector.load %arg3[%get3A_6, %get3A_7] : memref<1x128xf32, #tpu.memory_space<vmem>>, vector<1x128xf32>
    %add3A = vector.broadcast %get3A_8 : vector<1x128xf32> to vector<2000x128xf32>
    %add3A_9 = arith.addf %dot_general3A_5, %add3A : vector<2000x128xf32>
    %swap3A = arith.constant 0 : index
    %swap3A_10 = arith.constant 0 : index
    %swap3A_11 = vector.load %arg4[%swap3A, %swap3A_10] : memref<2000x128xf32, #tpu.memory_space<vmem>>, vector<2000x128xf32>
    tpu.vector_store %arg4[%swap3A, %swap3A_10], %add3A_9 {strides = array<i32>} : memref<2000x128xf32, #tpu.memory_space<vmem>>, vector<2000x128xf32>,
    return
  }
  func.func @transform_0(%arg0: i32) -> (i32, i32) {
    %c0_i32 = arith.constant 0 : i32
    %c0_i32_0 = arith.constant 0 : i32
    return %arg0, %c0_i32 : i32, i32
  }
  func.func @transform_1(%arg0: i32) -> (i32, i32) {
    %c0_i32 = arith.constant 0 : i32
    %c0_i32_0 = arith.constant 0 : i32
    %c0_i32_1 = arith.constant 0 : i32
    return %c0_i32, %c0_i32_0 : i32, i32
  }
  func.func @transform_2(%arg0: i32) -> (i32, i32) {
    %c0_i32 = arith.constant 0 : i32
    %c0_i32_0 = arith.constant 0 : i32
    %c0_i32_1 = arith.constant 0 : i32
    return %c0_i32, %c0_i32_0 : i32, i32
  }
  func.func @transform_3(%arg0: i32) -> (i32, i32) {
    %c0_i32 = arith.constant 0 : i32
    %c0_i32_0 = arith.constant 0 : i32
    return %arg0, %c0_i32 : i32, i32
  }
}

module attributes {stable_mosaic.version = 14 : i64} {
  func.func @body(%arg0: i32, %arg1: memref<2000x128xf32, #tpu.memory_space<vmem>>, %arg2: memref<2000x128xf32, #tpu.memory_space<vmem>>, %arg3: memref<2000x128xf32, #tpu.memory_space<vmem>>, %arg4: memref<128x128xf32, #tpu.memory_space<vmem>>, %arg5: memref<1x128xf32, #tpu.memory_space<vmem>>, %arg6: memref<128x128xf32, #tpu.memory_space<vmem>>, %arg7: memref<1x128xf32, #tpu.memory_space<vmem>>, %arg8: memref<2000x128xf32, #tpu.memory_space<vmem>>) attributes {dimension_semantics = [#tpu.dimension_semantics<arbitrary>], iteration_bounds = array<i64: 5>, scalar_prefetch = 0 : i64, scratch_operands = 0 : i64, tpu.core_type = #tpu.core_type<tc>, window_params = [{transform_indices = @transform_0, window_bounds = array<i64: 2000, 128>}, {transform_indices = @transform_1, window_bounds = array<i64: 2000, 128>}, {transform_indices = @transform_2, window_bounds = array<i64: 2000, 128>}, {pipeline_mode = #tpu.pipeline_mode<synchronous>, transform_indices = @transform_3, window_bounds = array<i64: 128, 128>}, {pipeline_mode = #tpu.pipeline_mode<synchronous>, transform_indices = @transform_4, window_bounds = array<i64: 1, 128>}, {pipeline_mode = #tpu.pipeline_mode<synchronous>, transform_indices = @transform_5, window_bounds = array<i64: 128, 128>}, {pipeline_mode = #tpu.pipeline_mode<synchronous>, transform_indices = @transform_6, window_bounds = array<i64: 1, 128>}, {transform_indices = @transform_7, window_bounds = array<i64: 2000, 128>}]} {
    %get3A = arith.constant 0 : index
    %get3A_0 = arith.constant 0 : index
    %get3A_1 = vector.load %arg1[%get3A, %get3A_0] : memref<2000x128xf32, #tpu.memory_space<vmem>>, vector<2000x128xf32>
    %get3A_2 = arith.constant 0 : index
    %get3A_3 = arith.constant 0 : index
    %get3A_4 = vector.load %arg2[%get3A_2, %get3A_3] : memref<2000x128xf32, #tpu.memory_space<vmem>>, vector<2000x128xf32>
    %add3A = arith.addf %get3A_1, %get3A_4 : vector<2000x128xf32>
    %get3A_5 = arith.constant 0 : index
    %get3A_6 = arith.constant 0 : index
    %get3A_7 = vector.load %arg3[%get3A_5, %get3A_6] : memref<2000x128xf32, #tpu.memory_space<vmem>>, vector<2000x128xf32>
    %add3A_8 = arith.addf %add3A, %get3A_7 : vector<2000x128xf32>
    %get3A_9 = arith.constant 0 : index
    %get3A_10 = arith.constant 0 : index
    %get3A_11 = vector.load %arg4[%get3A_9, %get3A_10] : memref<128x128xf32, #tpu.memory_space<vmem>>, vector<128x128xf32>
    %dot_general3A = arith.constant dense<0.000000e+00> : vector<2000x128xf32>
    %dot_general3A_12 = tpu.matmul %add3A_8, %get3A_11, %dot_general3A {dimension_numbers = #tpu.dot_dimension_numbers<[1], [0], [0], [1], [0, 0, 1, 1], [], []>, transpose_lhs_hint = false} : vector<2000x128xf32>, vector<128x128xf32>, vector<2000x128xf32> -> vector<2000x128xf32>
    %get3A_13 = arith.constant 0 : index
    %get3A_14 = arith.constant 0 : index
    %get3A_15 = vector.load %arg5[%get3A_13, %get3A_14] : memref<1x128xf32, #tpu.memory_space<vmem>>, vector<1x128xf32>
    %add3A_16 = vector.broadcast %get3A_15 : vector<1x128xf32> to vector<2000x128xf32>
    %add3A_17 = arith.addf %dot_general3A_12, %add3A_16 : vector<2000x128xf32>
    %max3A = arith.constant 0.000000e+00 : f32
    %max3A_18 = vector.broadcast %max3A : f32 to vector<2000x128xf32>
    %max3A_19 = arith.maximumf %add3A_17, %max3A_18 : vector<2000x128xf32>
    %get3A_20 = arith.constant 0 : index
    %get3A_21 = arith.constant 0 : index
    %get3A_22 = vector.load %arg6[%get3A_20, %get3A_21] : memref<128x128xf32, #tpu.memory_space<vmem>>, vector<128x128xf32>
    %dot_general3A_23 = arith.constant dense<0.000000e+00> : vector<2000x128xf32>
    %dot_general3A_24 = tpu.matmul %max3A_19, %get3A_22, %dot_general3A_23 {dimension_numbers = #tpu.dot_dimension_numbers<[1], [0], [0], [1], [0, 0, 1, 1], [], []>, transpose_lhs_hint = false} : vector<2000x128xf32>, vector<128x128xf32>, vector<2000x128xf32> -> vector<2000x128xf32>
    %get3A_25 = arith.constant 0 : index
    %get3A_26 = arith.constant 0 : index
    %get3A_27 = vector.load %arg7[%get3A_25, %get3A_26] : memref<1x128xf32, #tpu.memory_space<vmem>>, vector<1x128xf32>
    %add3A_28 = vector.broadcast %get3A_27 : vector<1x128xf32> to vector<2000x128xf32>
    %add3A_29 = arith.addf %dot_general3A_24, %add3A_28 : vector<2000x128xf32>
    %max3A_30 = arith.constant 0.000000e+00 : f32
    %max3A_31 = vector.broadcast %max3A_30 : f32 to vector<2000x128xf32>
    %max3A_32 = arith.maximumf %add3A_29, %max3A_31 : vector<2000x128xf32>
    %swap3A = arith.constant 0 : index
    %swap3A_33 = arith.constant 0 : index
    %swap3A_34 = vector.load %arg8[%swap3A, %swap3A_33] : memref<2000x128xf32, #tpu.memory_space<vmem>>, vector<2000x128xf32>
    tpu.vector_store %arg8[%swap3A, %swap3A_33], %max3A_32 {strides = array<i32>} : memref<2000x128xf32, #tpu.memory_space<vmem>>, vector<2000x128xf32>,
    return
  }
  func.func @transform_0(%arg0: i32) -> (i32, i32) {
    %c0_i32 = arith.constant 0 : i32
    %c0_i32_0 = arith.constant 0 : i32
    return %arg0, %c0_i32 : i32, i32
  }
  func.func @transform_1(%arg0: i32) -> (i32, i32) {
    %c0_i32 = arith.constant 0 : i32
    %c0_i32_0 = arith.constant 0 : i32
    return %arg0, %c0_i32 : i32, i32
  }
  func.func @transform_2(%arg0: i32) -> (i32, i32) {
    %c0_i32 = arith.constant 0 : i32
    %c0_i32_0 = arith.constant 0 : i32
    return %arg0, %c0_i32 : i32, i32
  }
  func.func @transform_3(%arg0: i32) -> (i32, i32) {
    %c0_i32 = arith.constant 0 : i32
    %c0_i32_0 = arith.constant 0 : i32
    %c0_i32_1 = arith.constant 0 : i32
    return %c0_i32, %c0_i32_0 : i32, i32
  }
  func.func @transform_4(%arg0: i32) -> (i32, i32) {
    %c0_i32 = arith.constant 0 : i32
    %c0_i32_0 = arith.constant 0 : i32
    %c0_i32_1 = arith.constant 0 : i32
    return %c0_i32, %c0_i32_0 : i32, i32
  }
  func.func @transform_5(%arg0: i32) -> (i32, i32) {
    %c0_i32 = arith.constant 0 : i32
    %c0_i32_0 = arith.constant 0 : i32
    %c0_i32_1 = arith.constant 0 : i32
    return %c0_i32, %c0_i32_0 : i32, i32
  }
  func.func @transform_6(%arg0: i32) -> (i32, i32) {
    %c0_i32 = arith.constant 0 : i32
    %c0_i32_0 = arith.constant 0 : i32
    %c0_i32_1 = arith.constant 0 : i32
    return %c0_i32, %c0_i32_0 : i32, i32
  }
  func.func @transform_7(%arg0: i32) -> (i32, i32) {
    %c0_i32 = arith.constant 0 : i32
    %c0_i32_0 = arith.constant 0 : i32
    return %arg0, %c0_i32 : i32, i32
  }
}

module attributes {stable_mosaic.version = 14 : i64} {
  func.func @body(%arg0: i32, %arg1: memref<2000x128xf32, #tpu.memory_space<vmem>>, %arg2: memref<2000x128xf32, #tpu.memory_space<vmem>>, %arg3: memref<2000x128xf32, #tpu.memory_space<vmem>>, %arg4: memref<128x128xf32, #tpu.memory_space<vmem>>, %arg5: memref<1x128xf32, #tpu.memory_space<vmem>>, %arg6: memref<128x128xf32, #tpu.memory_space<vmem>>, %arg7: memref<1x128xf32, #tpu.memory_space<vmem>>, %arg8: memref<2000x128xf32, #tpu.memory_space<vmem>>) attributes {dimension_semantics = [#tpu.dimension_semantics<arbitrary>], iteration_bounds = array<i64: 5>, scalar_prefetch = 0 : i64, scratch_operands = 0 : i64, tpu.core_type = #tpu.core_type<tc>, window_params = [{transform_indices = @transform_0, window_bounds = array<i64: 2000, 128>}, {transform_indices = @transform_1, window_bounds = array<i64: 2000, 128>}, {transform_indices = @transform_2, window_bounds = array<i64: 2000, 128>}, {pipeline_mode = #tpu.pipeline_mode<synchronous>, transform_indices = @transform_3, window_bounds = array<i64: 128, 128>}, {pipeline_mode = #tpu.pipeline_mode<synchronous>, transform_indices = @transform_4, window_bounds = array<i64: 1, 128>}, {pipeline_mode = #tpu.pipeline_mode<synchronous>, transform_indices = @transform_5, window_bounds = array<i64: 128, 128>}, {pipeline_mode = #tpu.pipeline_mode<synchronous>, transform_indices = @transform_6, window_bounds = array<i64: 1, 128>}, {transform_indices = @transform_7, window_bounds = array<i64: 2000, 128>}]} {
    %get3A = arith.constant 0 : index
    %get3A_0 = arith.constant 0 : index
    %get3A_1 = vector.load %arg1[%get3A, %get3A_0] : memref<2000x128xf32, #tpu.memory_space<vmem>>, vector<2000x128xf32>
    %get3A_2 = arith.constant 0 : index
    %get3A_3 = arith.constant 0 : index
    %get3A_4 = vector.load %arg2[%get3A_2, %get3A_3] : memref<2000x128xf32, #tpu.memory_space<vmem>>, vector<2000x128xf32>
    %add3A = arith.addf %get3A_1, %get3A_4 : vector<2000x128xf32>
    %get3A_5 = arith.constant 0 : index
    %get3A_6 = arith.constant 0 : index
    %get3A_7 = vector.load %arg3[%get3A_5, %get3A_6] : memref<2000x128xf32, #tpu.memory_space<vmem>>, vector<2000x128xf32>
    %add3A_8 = arith.addf %add3A, %get3A_7 : vector<2000x128xf32>
    %get3A_9 = arith.constant 0 : index
    %get3A_10 = arith.constant 0 : index
    %get3A_11 = vector.load %arg4[%get3A_9, %get3A_10] : memref<128x128xf32, #tpu.memory_space<vmem>>, vector<128x128xf32>
    %dot_general3A = arith.constant dense<0.000000e+00> : vector<2000x128xf32>
    %dot_general3A_12 = tpu.matmul %add3A_8, %get3A_11, %dot_general3A {dimension_numbers = #tpu.dot_dimension_numbers<[1], [0], [0], [1], [0, 0, 1, 1], [], []>, transpose_lhs_hint = false} : vector<2000x128xf32>, vector<128x128xf32>, vector<2000x128xf32> -> vector<2000x128xf32>
    %get3A_13 = arith.constant 0 : index
    %get3A_14 = arith.constant 0 : index
    %get3A_15 = vector.load %arg5[%get3A_13, %get3A_14] : memref<1x128xf32, #tpu.memory_space<vmem>>, vector<1x128xf32>
    %add3A_16 = vector.broadcast %get3A_15 : vector<1x128xf32> to vector<2000x128xf32>
    %add3A_17 = arith.addf %dot_general3A_12, %add3A_16 : vector<2000x128xf32>
    %max3A = arith.constant 0.000000e+00 : f32
    %max3A_18 = vector.broadcast %max3A : f32 to vector<2000x128xf32>
    %max3A_19 = arith.maximumf %add3A_17, %max3A_18 : vector<2000x128xf32>
    %get3A_20 = arith.constant 0 : index
    %get3A_21 = arith.constant 0 : index
    %get3A_22 = vector.load %arg6[%get3A_20, %get3A_21] : memref<128x128xf32, #tpu.memory_space<vmem>>, vector<128x128xf32>
    %dot_general3A_23 = arith.constant dense<0.000000e+00> : vector<2000x128xf32>
    %dot_general3A_24 = tpu.matmul %max3A_19, %get3A_22, %dot_general3A_23 {dimension_numbers = #tpu.dot_dimension_numbers<[1], [0], [0], [1], [0, 0, 1, 1], [], []>, transpose_lhs_hint = false} : vector<2000x128xf32>, vector<128x128xf32>, vector<2000x128xf32> -> vector<2000x128xf32>
    %get3A_25 = arith.constant 0 : index
    %get3A_26 = arith.constant 0 : index
    %get3A_27 = vector.load %arg7[%get3A_25, %get3A_26] : memref<1x128xf32, #tpu.memory_space<vmem>>, vector<1x128xf32>
    %add3A_28 = vector.broadcast %get3A_27 : vector<1x128xf32> to vector<2000x128xf32>
    %add3A_29 = arith.addf %dot_general3A_24, %add3A_28 : vector<2000x128xf32>
    %max3A_30 = arith.constant 0.000000e+00 : f32
    %max3A_31 = vector.broadcast %max3A_30 : f32 to vector<2000x128xf32>
    %max3A_32 = arith.maximumf %add3A_29, %max3A_31 : vector<2000x128xf32>
    %swap3A = arith.constant 0 : index
    %swap3A_33 = arith.constant 0 : index
    %swap3A_34 = vector.load %arg8[%swap3A, %swap3A_33] : memref<2000x128xf32, #tpu.memory_space<vmem>>, vector<2000x128xf32>
    tpu.vector_store %arg8[%swap3A, %swap3A_33], %max3A_32 {strides = array<i32>} : memref<2000x128xf32, #tpu.memory_space<vmem>>, vector<2000x128xf32>,
    return
  }
  func.func @transform_0(%arg0: i32) -> (i32, i32) {
    %c0_i32 = arith.constant 0 : i32
    %c0_i32_0 = arith.constant 0 : i32
    return %arg0, %c0_i32 : i32, i32
  }
  func.func @transform_1(%arg0: i32) -> (i32, i32) {
    %c0_i32 = arith.constant 0 : i32
    %c0_i32_0 = arith.constant 0 : i32
    return %arg0, %c0_i32 : i32, i32
  }
  func.func @transform_2(%arg0: i32) -> (i32, i32) {
    %c0_i32 = arith.constant 0 : i32
    %c0_i32_0 = arith.constant 0 : i32
    return %arg0, %c0_i32 : i32, i32
  }
  func.func @transform_3(%arg0: i32) -> (i32, i32) {
    %c0_i32 = arith.constant 0 : i32
    %c0_i32_0 = arith.constant 0 : i32
    %c0_i32_1 = arith.constant 0 : i32
    return %c0_i32, %c0_i32_0 : i32, i32
  }
  func.func @transform_4(%arg0: i32) -> (i32, i32) {
    %c0_i32 = arith.constant 0 : i32
    %c0_i32_0 = arith.constant 0 : i32
    %c0_i32_1 = arith.constant 0 : i32
    return %c0_i32, %c0_i32_0 : i32, i32
  }
  func.func @transform_5(%arg0: i32) -> (i32, i32) {
    %c0_i32 = arith.constant 0 : i32
    %c0_i32_0 = arith.constant 0 : i32
    %c0_i32_1 = arith.constant 0 : i32
    return %c0_i32, %c0_i32_0 : i32, i32
  }
  func.func @transform_6(%arg0: i32) -> (i32, i32) {
    %c0_i32 = arith.constant 0 : i32
    %c0_i32_0 = arith.constant 0 : i32
    %c0_i32_1 = arith.constant 0 : i32
    return %c0_i32, %c0_i32_0 : i32, i32
  }
  func.func @transform_7(%arg0: i32) -> (i32, i32) {
    %c0_i32 = arith.constant 0 : i32
    %c0_i32_0 = arith.constant 0 : i32
    return %arg0, %c0_i32 : i32, i32
  }
}

module attributes {stable_mosaic.version = 14 : i64} {
  func.func @body(%arg0: i32, %arg1: memref<2000x128xf32, #tpu.memory_space<vmem>>, %arg2: memref<128x128xf32, #tpu.memory_space<vmem>>, %arg3: memref<1x128xf32, #tpu.memory_space<vmem>>, %arg4: memref<128x128xf32, #tpu.memory_space<vmem>>, %arg5: memref<1x128xf32, #tpu.memory_space<vmem>>, %arg6: memref<2000x128xf32, #tpu.memory_space<vmem>>) attributes {dimension_semantics = [#tpu.dimension_semantics<arbitrary>], iteration_bounds = array<i64: 5>, scalar_prefetch = 0 : i64, scratch_operands = 0 : i64, tpu.core_type = #tpu.core_type<tc>, window_params = [{transform_indices = @transform_0, window_bounds = array<i64: 2000, 128>}, {pipeline_mode = #tpu.pipeline_mode<synchronous>, transform_indices = @transform_1, window_bounds = array<i64: 128, 128>}, {pipeline_mode = #tpu.pipeline_mode<synchronous>, transform_indices = @transform_2, window_bounds = array<i64: 1, 128>}, {pipeline_mode = #tpu.pipeline_mode<synchronous>, transform_indices = @transform_3, window_bounds = array<i64: 128, 128>}, {pipeline_mode = #tpu.pipeline_mode<synchronous>, transform_indices = @transform_4, window_bounds = array<i64: 1, 128>}, {transform_indices = @transform_5, window_bounds = array<i64: 2000, 128>}]} {
    %get3A = arith.constant 0 : index
    %get3A_0 = arith.constant 0 : index
    %get3A_1 = vector.load %arg1[%get3A, %get3A_0] : memref<2000x128xf32, #tpu.memory_space<vmem>>, vector<2000x128xf32>
    %get3A_2 = arith.constant 0 : index
    %get3A_3 = arith.constant 0 : index
    %get3A_4 = vector.load %arg2[%get3A_2, %get3A_3] : memref<128x128xf32, #tpu.memory_space<vmem>>, vector<128x128xf32>
    %dot_general3A = arith.constant dense<0.000000e+00> : vector<2000x128xf32>
    %dot_general3A_5 = tpu.matmul %get3A_1, %get3A_4, %dot_general3A {dimension_numbers = #tpu.dot_dimension_numbers<[1], [0], [0], [1], [0, 0, 1, 1], [], []>, transpose_lhs_hint = false} : vector<2000x128xf32>, vector<128x128xf32>, vector<2000x128xf32> -> vector<2000x128xf32>
    %get3A_6 = arith.constant 0 : index
    %get3A_7 = arith.constant 0 : index
    %get3A_8 = vector.load %arg3[%get3A_6, %get3A_7] : memref<1x128xf32, #tpu.memory_space<vmem>>, vector<1x128xf32>
    %add3A = vector.broadcast %get3A_8 : vector<1x128xf32> to vector<2000x128xf32>
    %add3A_9 = arith.addf %dot_general3A_5, %add3A : vector<2000x128xf32>
    %max3A = arith.constant 0.000000e+00 : f32
    %max3A_10 = vector.broadcast %max3A : f32 to vector<2000x128xf32>
    %max3A_11 = arith.maximumf %add3A_9, %max3A_10 : vector<2000x128xf32>
    %get3A_12 = arith.constant 0 : index
    %get3A_13 = arith.constant 0 : index
    %get3A_14 = vector.load %arg4[%get3A_12, %get3A_13] : memref<128x128xf32, #tpu.memory_space<vmem>>, vector<128x128xf32>
    %dot_general3A_15 = arith.constant dense<0.000000e+00> : vector<2000x128xf32>
    %dot_general3A_16 = tpu.matmul %max3A_11, %get3A_14, %dot_general3A_15 {dimension_numbers = #tpu.dot_dimension_numbers<[1], [0], [0], [1], [0, 0, 1, 1], [], []>, transpose_lhs_hint = false} : vector<2000x128xf32>, vector<128x128xf32>, vector<2000x128xf32> -> vector<2000x128xf32>
    %get3A_17 = arith.constant 0 : index
    %get3A_18 = arith.constant 0 : index
    %get3A_19 = vector.load %arg5[%get3A_17, %get3A_18] : memref<1x128xf32, #tpu.memory_space<vmem>>, vector<1x128xf32>
    %add3A_20 = vector.broadcast %get3A_19 : vector<1x128xf32> to vector<2000x128xf32>
    %add3A_21 = arith.addf %dot_general3A_16, %add3A_20 : vector<2000x128xf32>
    %reduce_max3A = arith.constant dense<0xFF800000> : vector<2000xf32>
    %reduce_max3A_22 = vector.multi_reduction <maximumf>, %add3A_21, %reduce_max3A [1] : vector<2000x128xf32> to vector<2000xf32>
    %broadcast_in_dim3A = vector.shape_cast %reduce_max3A_22 : vector<2000xf32> to vector<2000x1xf32>
    %sub3A = vector.broadcast %broadcast_in_dim3A : vector<2000x1xf32> to vector<2000x128xf32>
    %sub3A_23 = arith.subf %add3A_21, %sub3A : vector<2000x128xf32>
    %exp3A = math.exp %sub3A_23 : vector<2000x128xf32>
    %reduce_sum3A = arith.constant dense<0.000000e+00> : vector<2000xf32>
    %reduce_sum3A_24 = vector.multi_reduction <add>, %exp3A, %reduce_sum3A [1] : vector<2000x128xf32> to vector<2000xf32>
    %broadcast_in_dim3A_25 = vector.shape_cast %reduce_sum3A_24 : vector<2000xf32> to vector<2000x1xf32>
    %log3A = math.log %broadcast_in_dim3A_25 : vector<2000x1xf32>
    %add3A_26 = arith.addf %log3A, %broadcast_in_dim3A : vector<2000x1xf32>
    %sub3A_27 = vector.broadcast %add3A_26 : vector<2000x1xf32> to vector<2000x128xf32>
    %sub3A_28 = arith.subf %add3A_21, %sub3A_27 : vector<2000x128xf32>
    %swap3A = arith.constant 0 : index
    %swap3A_29 = arith.constant 0 : index
    %swap3A_30 = vector.load %arg6[%swap3A, %swap3A_29] : memref<2000x128xf32, #tpu.memory_space<vmem>>, vector<2000x128xf32>
    tpu.vector_store %arg6[%swap3A, %swap3A_29], %sub3A_28 {strides = array<i32>} : memref<2000x128xf32, #tpu.memory_space<vmem>>, vector<2000x128xf32>,
    return
  }
  func.func @transform_0(%arg0: i32) -> (i32, i32) {
    %c0_i32 = arith.constant 0 : i32
    %c0_i32_0 = arith.constant 0 : i32
    return %arg0, %c0_i32 : i32, i32
  }
  func.func @transform_1(%arg0: i32) -> (i32, i32) {
    %c0_i32 = arith.constant 0 : i32
    %c0_i32_0 = arith.constant 0 : i32
    %c0_i32_1 = arith.constant 0 : i32
    return %c0_i32, %c0_i32_0 : i32, i32
  }
  func.func @transform_2(%arg0: i32) -> (i32, i32) {
    %c0_i32 = arith.constant 0 : i32
    %c0_i32_0 = arith.constant 0 : i32
    %c0_i32_1 = arith.constant 0 : i32
    return %c0_i32, %c0_i32_0 : i32, i32
  }
  func.func @transform_3(%arg0: i32) -> (i32, i32) {
    %c0_i32 = arith.constant 0 : i32
    %c0_i32_0 = arith.constant 0 : i32
    %c0_i32_1 = arith.constant 0 : i32
    return %c0_i32, %c0_i32_0 : i32, i32
  }
  func.func @transform_4(%arg0: i32) -> (i32, i32) {
    %c0_i32 = arith.constant 0 : i32
    %c0_i32_0 = arith.constant 0 : i32
    %c0_i32_1 = arith.constant 0 : i32
    return %c0_i32, %c0_i32_0 : i32, i32
  }
  func.func @transform_5(%arg0: i32) -> (i32, i32) {
    %c0_i32 = arith.constant 0 : i32
    %c0_i32_0 = arith.constant 0 : i32
    return %arg0, %c0_i32 : i32, i32
  }
}

</mosaic_0001>

<sc_bundles>
// kernel: kernel.10.cloned.1.call-start
scs
__scs_entry_jumppad:
0x0: {  	(pc) =	sbr.rel $0x88, $3  }
0x1: {  	(tag) =	ssettag $0x0;
	lr =	simm.s32 $0x1  }
0x2: {  	[smem:$0x3F95] =	sst lr;
	_ =	strace $0xD0000000  }
0x3: {  	_ = 	snop  }
0x4: {  	_ = 	snop  }
0x5: {  	_ = 	snop  }
0x6: {  	_ = 	snop  }
0x7: {  	_ = 	snop  }
__scs_overlays_trampoline_lowered:
0x8: {  	[smem:$0x3FA4] =	sst s0  }
0x9: {  	[smem:$0x3FA5] =	sst s1  }
0xa: {  	[smem:$0x3FA6] =	sst s2  }
0xb: {  	[smem:$0x3FA7] =	sst s3  }
0xc: {  	[smem:$0x3FA8] =	sst s4  }
0xd: {  	[smem:$0x3FA9] =	sst s5  }
0xe: {  	[smem:$0x3FAA] =	sst s6  }
0xf: {  	[smem:$0x3FAB] =	sst s7  }
0x10: {  	[smem:$0x3FAC] =	sst s8  }
0x11: {  	[smem:$0x3FAD] =	sst s9;
	s0 =	simm.s32 @!p0 $0x0  }
0x12: {  	s1 =	sld [smem:$0x3F93];
	s0 =	simm.s32 @p0 $0x1  }
0x13: {  	[smem:$0x3FAE] =	sst s0;
	s0 =	simm.s32 @!p1 $0x0  }
0x14: {  	s2 =	sld [smem:$0x3F92];
	s0 =	simm.s32 @p1 $0x1  }
0x15: {  	[smem:$0x3FAF] =	sst s0;
	s0 =	simm.s32 @!p2 $0x0  }
0x16: {  	s3 =	sld [smem:$0x3FDB];
	s0 =	simm.s32 @p2 $0x1  }
0x17: {  	s4 =	simm.s32 $0x1BF5;
	[smem:$0x3FB1] =	sst s0  }
0x18: {  	s0 =	sld [smem:$0x3F94];
	_ =	swait.ge [sflag:s4], $0x0  }
0x19: {  	s7 =	sld [smem:$0x3F95]  }
0x1a: {  	s8 =	sadd.s32 $0xFFFFE003, lr  }
0x1b: {  	s9 =	sadd.s32 $0xFFFFFEF7, lr;
	s5 =	simm.s32 $0xFFFFFFFF;
	p2 =	slt.u32 s8, $0xFFFFF086  }
0x1c: {  	p1 =	slt.u32 s9, $0xF7A;
	s5 =	simm.s32 @!p2 $0x0  }
0x1d: {  	s5 =	simm.s32 @p1 $0x1;
	p0 =	seq.s32 s7, s2  }
0x1e: {  	s7 =	smul.u32 @!p0 $0xF7A, s2;
	p2 =	seq.s32 @!p0 s5, $0x0  }
0x1f: {  	s9 =	smul.u32 $0xF7A, s1;
	s8 =	simm.s32 @!p0 $0x1BF5;
	p2 =	por !p2, p0  }
0x20: {  	[sflag:s8] =	ssyncset.s32 @!p0 $0xFFFFF086;
	s6 =	sadd.s32 @!p0 s3, s7;
	s7 =	simm.s32 @!p0 $0x108  }
0x21: {  	s3 =	sadd.s32 s3, s9;
	s6 =	sadd.s32 @!p0 $0x88, s6;
	s7 =	simm.s32 @p2 $0x1082  }
0x22: {  	[simem:s7], [sflag:s8] =	dma.local @!p0 [hbm:s6], $0xF7A  }
0x23: {  	s9 =	sor.u32 $0xD0000000, s2;
	s6 =	simm.s32 $0x108;
	_ =	swait.ge @!p0 [sflag:s8], $0x0  }
0x24: {  	s3 =	sadd.s32 $0x88, s3;
	s6 =	simm.s32 @!p1 $0x1082;
	[sflag:s4] =	ssyncset.s32 $0xFFFFF086  }
0x25: {  	[simem:s6], [sflag:s4] =	dma.local [hbm:s3], $0xF7A  }
0x26: {  	[smem:$0x3F95] =	sst s1;
	(tag) =	ssettag s2;
	_ =	strace s9  }
0x27: {  	s1 =	sld [smem:$0x3FA5]  }
0x28: {  	s2 =	sld [smem:$0x3FA6]  }
0x29: {  	s4 =	sld [smem:$0x3FA8]  }
0x2a: {  	p0 =	seq.s32 s5, $0x0;
	s5 =	sld [smem:$0x3FA9]  }
0x2b: {  	s6 =	sld [smem:$0x3FAA]  }
0x2c: {  	s7 =	sld [smem:$0x3FAB]  }
0x2d: {  	s3 =	simm.s32 $0x108;
	s8 =	sld [smem:$0x3FAC]  }
0x2e: {  	s3 =	simm.s32 @!p0 $0x1082;
	s9 =	sld [smem:$0x3FAD]  }
0x2f: {  	lr =	sadd.s32 s0, s3;
	s0 =	sld [smem:$0x3FA4]  }
0x30: {  	s3 =	sld [smem:$0x3FA7]  }
0x31: {  	[smem:$0x3FB0] =	sst s10  }
0x32: {  	s10 =	sld [smem:$0x3FAE];
	_ =	sdelay $0x3  }
0x33: {  	p0 =	seq.s32 s10, $0x1;
	s10 =	sld [smem:$0x3FB0];
	_ =	sdelay $0x3  }
0x34: {  	[smem:$0x3FB0] =	sst s10  }
0x35: {  	s10 =	sld [smem:$0x3FAF];
	_ =	sdelay $0x3  }
0x36: {  	p1 =	seq.s32 s10, $0x1;
	s10 =	sld [smem:$0x3FB0];
	_ =	sdelay $0x3  }
0x37: {  	[smem:$0x3FB0] =	sst s10  }
0x38: {  	s10 =	sld [smem:$0x3FB1]  }
0x39: {  	_ = 	snop;
	(pc) =	sbr.ind lr, $3  }
0x3a: {  	_ = 	snop  }
0x3b: {  	_ = 	snop  }
0x3c: {  	p2 =	seq.s32 s10, $0x1;
	s10 =	sld [smem:$0x3FB0]  }
0x3d: {  	_ =	shalt  }
0x3e: {  	_ =	shalt  }
0x3f: {  	_ =	shalt  }
0x40: {  	_ =	shalt  }
0x41: {  	_ =	shalt  }
0x42: {  	_ =	shalt  }
0x43: {  	_ =	shalt  }
0x44: {  	_ =	shalt  }
0x45: {  	_ =	shalt  }
0x46: {  	_ =	shalt  }
0x47: {  	_ =	shalt  }
0x48: {  	_ =	shalt  }
0x49: {  	_ =	shalt  }
0x4a: {  	_ =	shalt  }
0x4b: {  	_ =	shalt  }
0x4c: {  	_ =	shalt  }
0x4d: {  	_ =	shalt  }
0x4e: {  	_ =	shalt  }
0x4f: {  	_ =	shalt  }
0x50: {  	_ =	shalt  }
0x51: {  	_ =	shalt  }
0x52: {  	_ =	shalt  }
0x53: {  	_ =	shalt  }
0x54: {  	_ =	shalt  }
0x55: {  	_ =	shalt  }
0x56: {  	_ =	shalt  }
0x57: {  	_ =	shalt  }
0x58: {  	_ =	shalt  }
0x59: {  	_ =	shalt  }
0x5a: {  	_ =	shalt  }
0x5b: {  	_ =	shalt  }
0x5c: {  	_ =	shalt  }
0x5d: {  	_ =	shalt  }
0x5e: {  	_ =	shalt  }
0x5f: {  	_ =	shalt  }
0x60: {  	_ =	shalt  }
0x61: {  	_ =	shalt  }
0x62: {  	_ =	shalt  }
0x63: {  	_ =	shalt  }
0x64: {  	_ =	shalt  }
0x65: {  	_ =	shalt  }
0x66: {  	_ =	shalt  }
0x67: {  	_ =	shalt  }
0x68: {  	_ =	shalt  }
0x69: {  	_ =	shalt  }
0x6a: {  	_ =	shalt  }
0x6b: {  	_ =	shalt  }
0x6c: {  	_ =	shalt  }
0x6d: {  	_ =	shalt  }
0x6e: {  	_ =	shalt  }
0x6f: {  	_ =	shalt  }
0x70: {  	_ =	shalt  }
0x71: {  	_ =	shalt  }
0x72: {  	_ =	shalt  }
0x73: {  	_ =	shalt  }
0x74: {  	_ =	shalt  }
0x75: {  	_ =	shalt  }
0x76: {  	_ =	shalt  }
0x77: {  	_ =	shalt  }
0x78: {  	_ =	shalt  }
0x79: {  	_ =	shalt  }
0x7a: {  	_ =	shalt  }
0x7b: {  	_ =	shalt  }
0x7c: {  	_ =	shalt  }
0x7d: {  	_ =	shalt  }
0x7e: {  	_ =	shalt  }
0x7f: {  	_ =	shalt  }
0x80: {  	_ =	shalt  }
0x81: {  	_ =	shalt  }
0x82: {  	_ =	shalt  }
0x83: {  	_ =	shalt  }
0x84: {  	_ =	shalt  }
0x85: {  	_ =	shalt  }
0x86: {  	_ =	shalt  }
0x87: {  	_ =	shalt  }
.Lfunc_end0:
.L_simem_size_0:
called_computation_lowered:
.L_overlay_start_0:
0x88: {  	s2 =	sld [smem:$0x3FD9]  }
0x89: {  	s3 =	sld [smem:$0x3FFE];
	_ =	sdelay $0x1  }
0x8a: {  	s1 =	srdreg.scid  }
0x8b: {  	s0 =	sand.u32 $0x1, s1  }
0x8c: {  	s14 =	sshll.u32 s0, $0xA;
	s2 =	sadd.s32 s3, s2  }
0x8d: {  	s2 =	sadd.s32 s2, s14  }
0x8e: {  	[smem:$0x3FBC] =	sst s2  }
0x8f: {  	_ = 	snop  }
0x90: {  	s2 =	sld [smem:$0x3FD0];
	_ =	sdelay $0x2  }
0x91: {  	s15 =	simm.s32 $0xA;
	s4 =	simm.s32 $0x10  }
0x92: {  	[smem:s4], [sflag:s15] =	dma.local [hbm:s2], $0x1  }
0x93: {  	_ =	swait.eq [sflag:s15], $0x1  }
0x94: {  	s16 =	sld [smem:$0x10];
	[sflag:s15] =	ssyncset.done $0x0  }
0x95: {  	s17 =	sld [smem:$0x11];
	[sflag:s15] =	ssyncadd.s32 $0xFFFFFFFF  }
0x96: {  	s18 =	sld [smem:$0x12];
	(tm) =	ssettm $0x1  }
0x97: {  	s5 =	sld [smem:$0x3FFB];
	_ =	sdelay $0x3  }
0x98: {  	_ =	strace s5  }
0x99: {  	s5 =	sld [smem:$0x3FFC];
	_ =	sdelay $0x3  }
0x9a: {  	_ =	strace s5  }
0x9b: {  	s5 =	sld [smem:$0x3FFD];
	_ =	sdelay $0x3  }
0x9c: {  	_ =	strace s5  }
0x9d: {  	_ =	strace $0x8FFFFFFF  }
0x9e: {  	s19 =	sld [smem:$0x3FDB];
	_ =	sdelay $0x1  }
0x9f: {  	s6 =	simm.s32 $_scs_section_size  }
0xa0: {  	s7 =	simm.s32 $_size__tile_overlayer_lowered;
	s8 =	simm.s32 $_tile_overlayer_lowered  }
0xa1: {  	s22 =	simm.s32 $0x1BFF;
	s21 =	sshll.u32 s8, $0x1;
	s5 =	sadd.s32 s6, s19  }
0xa2: {  	s9 =	simm.s32 $0x0;
	s20 =	sshll.u32 s7, $0x1;
	s7 =	sadd.s32 s21, s5  }
0xa3: {  	[timem:s9], [sflag:s22] =	dma.local [hbm:s7], s20  }
0xa4: {  	_ =	swait.ge [sflag:s22], s20  }
0xa5: {  	s6 =	ssub.s32 $0x0, s20;
	[sflag:s22] =	ssyncset.done $0x0  }
0xa6: {  	[sflag:s22] =	ssyncadd.s32 s6;
	_ =	sdelay $0x1  }
0xa7: {  	s23 =	simm.s32 $0x1B8B  }
0xa8: {  	_ =	swait.ge [sflag:s23], $0x1  }
0xa9: {  	[sflag:s23] =	ssyncset.done $0x0  }
0xaa: {  	s25 =	simm.s32 $0x1B8E;
	s24 =	sld [smem:$0x3FFE];
	[sflag:s23] =	ssyncadd.s32 $0xFFFFFFFF  }
0xab: {  	s26 =	simm.s32 $execute0_lowered;
	[smem:$0x3FD2] =	sst s25  }
0xac: {  	s7 =	sshll.u32 s26, $0x1;
	_ =	strace $0x80000046;
	[dreg:$0x1] =	wrdreg $0xFFFFFFFF  }
0xad: {  	s28 =	simm.s32 $_size_execute0_lowered;
	s5 =	sadd.s32 s5, s7;
	[dreg:$0x0] =	wrdreg $0x0  }
0xae: {  	s7 =	sshll.u32 s28, $0x1;
	[dreg:$0x2] =	wrdreg s5  }
0xaf: {  	[dreg:$0x3] =	wrdreg s7  }
0xb0: {  	[dreg:$0x4] =	wrdreg $0xC0  }
0xb1: {  	_ =	task [dreg:s9], $0x5FFFF  }
0xb2: {  	[dreg:$0x1] =	wrdreg $0xFFFFFFFF  }
0xb3: {  	[dreg:$0x0] =	wrdreg $0x60  }
0xb4: {  	[dreg:$0x2] =	wrdreg s18  }
0xb5: {  	[dreg:$0x3] =	wrdreg s16  }
0xb6: {  	[dreg:$0x4] =	wrdreg s17  }
0xb7: {  	[dreg:$0x5] =	wrdreg s24  }
0xb8: {  	[dreg:$0x6] =	wrdreg $0x90000  }
0xb9: {  	[dreg:$0x7] =	wrdreg $0x9  }
0xba: {  	_ =	task.clear_ibuf [dreg:s9], $0x8FFFF;
	_ =	strace $0x90000046  }
0xbb: {  	s29 =	simm.s32 $0x9;
	_ =	strace $0x80000048  }
0xbc: {  	_ =	swait.ge [sflag:s29], $0x1  }
0xbd: {  	[sflag:s29] =	ssyncadd.s32 $0xFFFFFFFF  }
0xbe: {  	_ =	strace $0x90000048  }
0xbf: {  	_ =	sfence  }
0xc0: {  	s30 =	sld [smem:$0x0];
	_ =	sdelay $0x2  }
0xc1: {  	s31 =	sshll.u32 s1, $0xD;
	s1 =	sshrl.u32 s1, $0x2  }
0xc2: {  	s3 =	sand.u32 $0x4000, s31;
	s1 =	sadd.s32 s1, s30  }
0xc3: {  	s0 =	sor.u32 s3, s0;
	s1 =	sshll.u32 s1, $0x11  }
0xc4: {  	s0 =	sor.u32 s1, s0  }
0xc5: {  	s0 =	sadd.s32 $0x8F2B, s0  }
0xc6: {  	[sflag:s0] =	ssyncadd.remote.s32 $0x1  }
0xc7: {  	_ =	sfence.sel $0xFFFF  }
0xc8: {  	[dreg:$0x0] =	wrdreg $0xFFFFFFFF;
	(pc) =	sbr.abs _section_cstart, $3  }
0xc9: {  	[dreg:$0x1] =	wrdreg $0xFFFFFFFF  }
0xca: {  	_ =	task.clear_ibuf [dreg:s9], $0x2FFFF;
	_ =	strace $0x9FFFFFFF  }
0xcb: {  	(tm) =	ssettm $0x7FFFFFFF  }
tec
execute0_lowered:
.L_overlay_start_1:
0x0: {  	(tag) =	ssettag $0x1  }
0x1: {  	s0 =	rddreg [dreg:$0x0]  }
0x2: {  	s10 =	rddreg [dreg:$0x1]  }
0x3: {  	s11 =	rddreg [dreg:$0x2]  }
0x4: {  	s7 =	rddreg [dreg:$0x3]  }
0x5: {  	s1 =	srdreg.scid;
	s3 =	rddreg [dreg:$0x4]  }
0x6: {  	s2 =	rddreg [dreg:$0x5];
	s4 =	simm.s32 $0x0;
	s5 =	sand.u32 $0x1, s1  }
0x7: {  	s15 =	simm.s32 $0x2;
	s1 =	stileid.u32;
	s6 =	smul.u32 $0x13C000, s5  }
0x8: {  	s16 =	simm.s32 $0x2800;
	s17 =	simm.s32 $0x80;
	s8 =	smul.u32 $0x13C00, s1  }
0x9: {  	s18 =	simm.s32 $0x1;
	[smem:$0x7FF] =	sst s4;
	s29 =	smul.u32 $0x4F000, s1  }
0xa: {  	_ =	strace $0x80000047;
	s30 =	ssub.s32 $0x2, s5;
	s31 =	sshll.u32 s1, $0x1  }
0xb: {  	s19 =	sshll.u32 s1, $0x6;
	s9 =	sshrl.u32 s30, $0x1;
	s6 =	sadd.s32 s8, s6  }
0xc: {  	s8 =	sshrl.u32 s29, $0x2;
	s13 =	ssub.s32 s30, s9;
	s6 =	sshrl.u32 s6, $0x3  }
0xd: {  	s12 =	sadd.s32 s6, s7;
	s7 =	sor.u32 s5, s31;
	s5 =	sadd.s32 s8, s3  }
0xe: {  	s19 =	sor.u32 $0x1C02, s19;
	s13 =	smax.u32 s13, $0x1;
	s6 =	sadd.s32 $0x4000, s5  }
0xf: {  	s14 =	smul.u32 $0x500, s7;
	s7 =	sadd.s32 $0x8000, s5;
	s8 =	sadd.s32 $0xC000, s5  }
0x10: {  	s9 =	sadd.s32 $0x10000, s5;
	s12 =	sadd.s32 $0x3E00, s12;
	s20 =	sshrl.u32 s5, $0x3  }
0x11: {  	v0 =	vimm.f32 $0.0e+00;
	s10 =	sadd.s32 s10, s14;
	s11 =	sadd.s32 s11, s14;
	s14 =	simm.s32 $0x5000  }
.LBB2_1:
0x12: {  	s21 =	simm.s32 $0x0;
	s22 =	simm.s32 $0x200  }
.LBB2_2:
0x13: {  	p0 =	sne.s32 s22, $0xFE00;
	[tilespmem:s21+$0x5070] =	vst v0  }
0x14: {  	[tilespmem:s21+$0x5000] =	vst v0  }
0x15: {  	[tilespmem:s21+$0x5010] =	vst v0  }
.Ltmp0:
0x16: {  	[tilespmem:s21+$0x5020] =	vst v0;
	(pc) =	sbr.rel @p0 .LBB2_2-.Ltmp0, $4  }
0x17: {  	[tilespmem:s21+$0x5030] =	vst v0  }
0x18: {  	[tilespmem:s21+$0x5040] =	vst v0  }
0x19: {  	[tilespmem:s21+$0x5050] =	vst v0  }
0x1a: {  	[tilespmem:s21+$0x5060] =	vst v0;
	s21 =	sshra.s32 s22, $0x2;
	s22 =	sadd.s32 $0x200, s22  }
0x1b: {  	[tilespmem:s21+$0x5070] =	vst v0  }
0x1c: {  	[tilespmem:s21+$0x5000] =	vst v0  }
0x1d: {  	[tilespmem:s21+$0x5010] =	vst v0  }
0x1e: {  	[tilespmem:s21+$0x5020] =	vst v0  }
0x1f: {  	[tilespmem:s21+$0x5030] =	vst v0  }
0x20: {  	[tilespmem:s21+$0x5040] =	vst v0  }
0x21: {  	[tilespmem:s21+$0x5050] =	vst v0  }
0x22: {  	[tilespmem:s21+$0x5060] =	vst v0  }
0x23: {  	[spmem:s5] =	stream.linear.scatter [tilespmem:s14], [sflag:$0x2], $0x4000, $0x38;
	[tilespmem:$0x1CC00] =	vst v63  }
0x24: {  	_ =	swait.ge [sflag:s15], $0x4000  }
0x25: {  	[sflag:s15] =	ssyncset.done $0x0  }
0x26: {  	[sflag:s15] =	ssyncadd.s32 $0xFFFFC000  }
0x27: {  	[spmem:s6] =	stream.linear.scatter [tilespmem:s14], [sflag:$0x2], $0x4000, $0x38;
	[tilespmem:$0x1CC00] =	vst v63  }
0x28: {  	_ =	swait.ge [sflag:s15], $0x4000  }
0x29: {  	[sflag:s15] =	ssyncset.done $0x0  }
0x2a: {  	[sflag:s15] =	ssyncadd.s32 $0xFFFFC000  }
0x2b: {  	[spmem:s7] =	stream.linear.scatter [tilespmem:s14], [sflag:$0x2], $0x4000, $0x38;
	[tilespmem:$0x1CC00] =	vst v63  }
0x2c: {  	_ =	swait.ge [sflag:s15], $0x4000  }
0x2d: {  	[sflag:s15] =	ssyncset.done $0x0  }
0x2e: {  	[sflag:s15] =	ssyncadd.s32 $0xFFFFC000  }
0x2f: {  	[spmem:s8] =	stream.linear.scatter [tilespmem:s14], [sflag:$0x2], $0x4000, $0x38;
	[tilespmem:$0x1CC00] =	vst v63  }
0x30: {  	_ =	swait.ge [sflag:s15], $0x4000  }
0x31: {  	[sflag:s15] =	ssyncset.done $0x0  }
0x32: {  	[sflag:s15] =	ssyncadd.s32 $0xFFFFC000  }
0x33: {  	[spmem:s9] =	stream.linear.scatter [tilespmem:s14], [sflag:$0x2], $0x3C00, $0x38;
	[tilespmem:$0x1CC00] =	vst v63  }
0x34: {  	_ =	swait.ge [sflag:s15], $0x3C00  }
0x35: {  	[sflag:s15] =	ssyncset.done $0x0  }
0x36: {  	[sflag:s15] =	ssyncadd.s32 $0xFFFFC400  }
0x37: {  	s29 =	simm.s32 $0x0;
	[bflag:$0x0] =	sbarrier.arrive $0xFFFF  }
0x38: {  	[tilespmem:s29], [sflag:$0x2] =	stream.linear.gather [hbm4b:s10+s29], $0x2800, $0x38;
	[tilespmem:$0x1CC00] =	vst v63  }
0x39: {  	_ =	swait.ge [sflag:s15], $0x2800  }
0x3a: {  	[sflag:s15] =	ssyncset.done $0x0  }
0x3b: {  	[sflag:s15] =	ssyncadd.s32 $0xFFFFD800  }
0x3c: {  	[tilespmem:s16], [sflag:$0x2] =	stream.linear.gather [hbm4b:s11+s29], $0x2800, $0x38;
	[tilespmem:$0x1CC00] =	vst v63  }
0x3d: {  	_ =	swait.ge [sflag:s15], $0x2800  }
0x3e: {  	[sflag:s15] =	ssyncset.done $0x0  }
0x3f: {  	s30 =	simm.s32 $0x0;
	[sflag:s15] =	ssyncadd.s32 $0xFFFFD800  }
0x40: {  	[tilespmem:s14], [sflag:$0x1] =	stream.indirect.gather [hbm4b:s0+s17], $0x80, s30, s17, $0xb8;
	[tilespmem:$0x1CC00] =	vst v63  }
0x41: {  	_ =	swait.ge [sflag:s18], $0x4000  }
0x42: {  	[sflag:s18] =	ssyncset.done $0x0  }
0x43: {  	s31 =	simm.s32 $0x2800;
	[sflag:s18] =	ssyncadd.s32 $0xFFFFC000  }
0x44: {  	[spmem:s3] =	stream.indirect.scatter.add.f32 [tilespmem:s14], [sflag:$0x2], $0x80, s31, s17, $0xb8;
	[tilespmem:$0x1CC00] =	vst v63  }
0x45: {  	_ =	swait.ge [sflag:s15], $0x4000  }
0x46: {  	s21 =	simm.s32 $0x200;
	s22 =	simm.s32 $0x400;
	[sflag:s15] =	ssyncset.done $0x0  }
.LBB2_4:
0x47: {  	s23 =	sshra.s32 s21, $0x2  }
0x48: {  	[sflag:s15] =	ssyncadd.s32 $0xFFFFC000;
	s21 =	smov.u32 s22;
	s24 =	sadd.s32 $0x200, s22  }
0x49: {  	[tilespmem:s14], [sflag:$0x1] =	stream.indirect.gather [hbm4b:s0+s17], $0x80, s23, s17, $0xb8;
	[tilespmem:$0x1CC00] =	vst v63  }
0x4a: {  	p0 =	sne.s32 s22, $0x9E00;
	_ =	swait.ge [sflag:s18], $0x4000  }
.Ltmp1:
0x4b: {  	[sflag:s18] =	ssyncset.done $0x0;
	(pc) =	sbr.rel @p0 .LBB2_4-.Ltmp1, $4  }
0x4c: {  	s22 =	sadd.s32 $0x2800, s23;
	[sflag:s18] =	ssyncadd.s32 $0xFFFFC000  }
0x4d: {  	[spmem:s3] =	stream.indirect.scatter.add.f32 [tilespmem:s14], [sflag:$0x2], $0x80, s22, s17, $0xb8;
	[tilespmem:$0x1CC00] =	vst v63  }
0x4e: {  	_ =	swait.ge [sflag:s15], $0x4000  }
0x4f: {  	s22 =	smov.u32 s24;
	[sflag:s15] =	ssyncset.done $0x0  }
0x50: {  	s21 =	sshra.s32 s21, $0x2;
	[sflag:s15] =	ssyncadd.s32 $0xFFFFC000  }
0x51: {  	[tilespmem:s14], [sflag:$0x1] =	stream.indirect.gather [hbm4b:s0+s17], $0x80, s21, s17, $0xb8;
	[tilespmem:$0x1CC00] =	vst v63  }
0x52: {  	_ =	swait.ge [sflag:s18], $0x4000  }
0x53: {  	[sflag:s18] =	ssyncset.done $0x0  }
0x54: {  	s21 =	sadd.s32 $0x2800, s21;
	[sflag:s18] =	ssyncadd.s32 $0xFFFFC000  }
0x55: {  	[spmem:s3] =	stream.indirect.scatter.add.f32 [tilespmem:s14], [sflag:$0x2], $0x80, s21, s17, $0xb8;
	[tilespmem:$0x1CC00] =	vst v63  }
0x56: {  	_ =	swait.ge [sflag:s15], $0x4000  }
0x57: {  	s4 =	sadd.s32 $0x1, s4;
	[sflag:s15] =	ssyncset.done $0x0  }
0x58: {  	p0 =	sne.s32 s4, s13;
	[sflag:s15] =	ssyncadd.s32 $0xFFFFC000  }
.Ltmp2:
0x59: {  	[bflag:$0x0] =	sbarrier.arrive $0xFFFF;
	(pc) =	sbr.rel @p0 .LBB2_1-.Ltmp2, $4  }
0x5a: {  	[hbm:s12], [sflag:s19] =	dma.local [spmem:s20], $0x2780  }
0x5b: {  	_ =	swait.ge [sflag:s15], $0x2780  }
0x5c: {  	[sflag:s15] =	ssyncset.done $0x0  }
0x5d: {  	[sflag:s15] =	ssyncadd.s32 $0xFFFFD880  }
0x5e: {  	_ =	sfence.sel $0x180000  }
0x5f: {  	[bflag:$0x0] =	sbarrier.arrive $0xFFFF  }
0x60: {  	p0 =	sne.s32 s1, $0x0;
	_ =	strace $0x90000047  }
0x61: {  	s0 =	sadd.s32 @!p0 $0x100000, s2;
	[bflag:$0x2] =	sbarrier.arrive $0xFFFF  }
0x62: {  	[sflag:s0] =	ssyncadd.tile.s32 @!p0 $0x1;
	_ =	shalt  }
.Lfunc_end2:
_tile_overlayer_lowered:
.L_overlay_start_2:
0x63: {  	(tag) =	ssettag $0x2  }
0x64: {  	s0 =	rddreg [dreg:$0x0];
	s2 =	stileid.u32  }
0x65: {  	s1 =	rddreg [dreg:$0x1];
	p0 =	sne.s32 s2, $0x0  }
0x66: {  	s3 =	rddreg [dreg:$0x2];
	[bflag:$0x3] =	sbarrier.arrive $0xFFFF;
	s2 =	simm.s32 @!p0 $0x1C02  }
0x67: {  	[timem:s3], [sflag:s2] =	dma.local @!p0 [hbm:s0], s1  }
0x68: {  	s0 =	simm.s32 @!p0 $0x2  }
0x69: {  	_ =	swait.ge @!p0 [sflag:s0], s1  }
0x6a: {  	s1 =	ssub.s32 @!p0 $0x0, s1;
	[sflag:s0] =	ssyncset.done @!p0 $0x0  }
0x6b: {  	[sflag:s0] =	ssyncadd.s32 @!p0 s1  }
0x6c: {  	[bflag:$0x3] =	sbarrier.arrive $0xFFFF  }
0x6d: {  	_ =	shalt  }

// kernel: kernel.13.cloned.1.call-start
scs
__scs_entry_jumppad:
0x0: {  	(pc) =	sbr.rel $0x88, $3  }
0x1: {  	(tag) =	ssettag $0x0;
	lr =	simm.s32 $0x1  }
0x2: {  	[smem:$0x3F95] =	sst lr;
	_ =	strace $0xD0000000  }
0x3: {  	_ = 	snop  }
0x4: {  	_ = 	snop  }
0x5: {  	_ = 	snop  }
0x6: {  	_ = 	snop  }
0x7: {  	_ = 	snop  }
__scs_overlays_trampoline_lowered:
0x8: {  	[smem:$0x3FA4] =	sst s0  }
0x9: {  	[smem:$0x3FA5] =	sst s1  }
0xa: {  	[smem:$0x3FA6] =	sst s2  }
0xb: {  	[smem:$0x3FA7] =	sst s3  }
0xc: {  	[smem:$0x3FA8] =	sst s4  }
0xd: {  	[smem:$0x3FA9] =	sst s5  }
0xe: {  	[smem:$0x3FAA] =	sst s6  }
0xf: {  	[smem:$0x3FAB] =	sst s7  }
0x10: {  	[smem:$0x3FAC] =	sst s8  }
0x11: {  	[smem:$0x3FAD] =	sst s9;
	s0 =	simm.s32 @!p0 $0x0  }
0x12: {  	s1 =	sld [smem:$0x3F93];
	s0 =	simm.s32 @p0 $0x1  }
0x13: {  	[smem:$0x3FAE] =	sst s0;
	s0 =	simm.s32 @!p1 $0x0  }
0x14: {  	s2 =	sld [smem:$0x3F92];
	s0 =	simm.s32 @p1 $0x1  }
0x15: {  	[smem:$0x3FAF] =	sst s0;
	s0 =	simm.s32 @!p2 $0x0  }
0x16: {  	s3 =	sld [smem:$0x3FDB];
	s0 =	simm.s32 @p2 $0x1  }
0x17: {  	s4 =	simm.s32 $0x1BF5;
	[smem:$0x3FB1] =	sst s0  }
0x18: {  	s0 =	sld [smem:$0x3F94];
	_ =	swait.ge [sflag:s4], $0x0  }
0x19: {  	s7 =	sld [smem:$0x3F95]  }
0x1a: {  	s8 =	sadd.s32 $0xFFFFE003, lr  }
0x1b: {  	s9 =	sadd.s32 $0xFFFFFEF7, lr;
	s5 =	simm.s32 $0xFFFFFFFF;
	p2 =	slt.u32 s8, $0xFFFFF086  }
0x1c: {  	p1 =	slt.u32 s9, $0xF7A;
	s5 =	simm.s32 @!p2 $0x0  }
0x1d: {  	s5 =	simm.s32 @p1 $0x1;
	p0 =	seq.s32 s7, s2  }
0x1e: {  	s7 =	smul.u32 @!p0 $0xF7A, s2;
	p2 =	seq.s32 @!p0 s5, $0x0  }
0x1f: {  	s9 =	smul.u32 $0xF7A, s1;
	s8 =	simm.s32 @!p0 $0x1BF5;
	p2 =	por !p2, p0  }
0x20: {  	[sflag:s8] =	ssyncset.s32 @!p0 $0xFFFFF086;
	s6 =	sadd.s32 @!p0 s3, s7;
	s7 =	simm.s32 @!p0 $0x108  }
0x21: {  	s3 =	sadd.s32 s3, s9;
	s6 =	sadd.s32 @!p0 $0x88, s6;
	s7 =	simm.s32 @p2 $0x1082  }
0x22: {  	[simem:s7], [sflag:s8] =	dma.local @!p0 [hbm:s6], $0xF7A  }
0x23: {  	s9 =	sor.u32 $0xD0000000, s2;
	s6 =	simm.s32 $0x108;
	_ =	swait.ge @!p0 [sflag:s8], $0x0  }
0x24: {  	s3 =	sadd.s32 $0x88, s3;
	s6 =	simm.s32 @!p1 $0x1082;
	[sflag:s4] =	ssyncset.s32 $0xFFFFF086  }
0x25: {  	[simem:s6], [sflag:s4] =	dma.local [hbm:s3], $0xF7A  }
0x26: {  	[smem:$0x3F95] =	sst s1;
	(tag) =	ssettag s2;
	_ =	strace s9  }
0x27: {  	s1 =	sld [smem:$0x3FA5]  }
0x28: {  	s2 =	sld [smem:$0x3FA6]  }
0x29: {  	s4 =	sld [smem:$0x3FA8]  }
0x2a: {  	p0 =	seq.s32 s5, $0x0;
	s5 =	sld [smem:$0x3FA9]  }
0x2b: {  	s6 =	sld [smem:$0x3FAA]  }
0x2c: {  	s7 =	sld [smem:$0x3FAB]  }
0x2d: {  	s3 =	simm.s32 $0x108;
	s8 =	sld [smem:$0x3FAC]  }
0x2e: {  	s3 =	simm.s32 @!p0 $0x1082;
	s9 =	sld [smem:$0x3FAD]  }
0x2f: {  	lr =	sadd.s32 s0, s3;
	s0 =	sld [smem:$0x3FA4]  }
0x30: {  	s3 =	sld [smem:$0x3FA7]  }
0x31: {  	[smem:$0x3FB0] =	sst s10  }
0x32: {  	s10 =	sld [smem:$0x3FAE];
	_ =	sdelay $0x3  }
0x33: {  	p0 =	seq.s32 s10, $0x1;
	s10 =	sld [smem:$0x3FB0];
	_ =	sdelay $0x3  }
0x34: {  	[smem:$0x3FB0] =	sst s10  }
0x35: {  	s10 =	sld [smem:$0x3FAF];
	_ =	sdelay $0x3  }
0x36: {  	p1 =	seq.s32 s10, $0x1;
	s10 =	sld [smem:$0x3FB0];
	_ =	sdelay $0x3  }
0x37: {  	[smem:$0x3FB0] =	sst s10  }
0x38: {  	s10 =	sld [smem:$0x3FB1]  }
0x39: {  	_ = 	snop;
	(pc) =	sbr.ind lr, $3  }
0x3a: {  	_ = 	snop  }
0x3b: {  	_ = 	snop  }
0x3c: {  	p2 =	seq.s32 s10, $0x1;
	s10 =	sld [smem:$0x3FB0]  }
0x3d: {  	_ =	shalt  }
0x3e: {  	_ =	shalt  }
0x3f: {  	_ =	shalt  }
0x40: {  	_ =	shalt  }
0x41: {  	_ =	shalt  }
0x42: {  	_ =	shalt  }
0x43: {  	_ =	shalt  }
0x44: {  	_ =	shalt  }
0x45: {  	_ =	shalt  }
0x46: {  	_ =	shalt  }
0x47: {  	_ =	shalt  }
0x48: {  	_ =	shalt  }
0x49: {  	_ =	shalt  }
0x4a: {  	_ =	shalt  }
0x4b: {  	_ =	shalt  }
0x4c: {  	_ =	shalt  }
0x4d: {  	_ =	shalt  }
0x4e: {  	_ =	shalt  }
0x4f: {  	_ =	shalt  }
0x50: {  	_ =	shalt  }
0x51: {  	_ =	shalt  }
0x52: {  	_ =	shalt  }
0x53: {  	_ =	shalt  }
0x54: {  	_ =	shalt  }
0x55: {  	_ =	shalt  }
0x56: {  	_ =	shalt  }
0x57: {  	_ =	shalt  }
0x58: {  	_ =	shalt  }
0x59: {  	_ =	shalt  }
0x5a: {  	_ =	shalt  }
0x5b: {  	_ =	shalt  }
0x5c: {  	_ =	shalt  }
0x5d: {  	_ =	shalt  }
0x5e: {  	_ =	shalt  }
0x5f: {  	_ =	shalt  }
0x60: {  	_ =	shalt  }
0x61: {  	_ =	shalt  }
0x62: {  	_ =	shalt  }
0x63: {  	_ =	shalt  }
0x64: {  	_ =	shalt  }
0x65: {  	_ =	shalt  }
0x66: {  	_ =	shalt  }
0x67: {  	_ =	shalt  }
0x68: {  	_ =	shalt  }
0x69: {  	_ =	shalt  }
0x6a: {  	_ =	shalt  }
0x6b: {  	_ =	shalt  }
0x6c: {  	_ =	shalt  }
0x6d: {  	_ =	shalt  }
0x6e: {  	_ =	shalt  }
0x6f: {  	_ =	shalt  }
0x70: {  	_ =	shalt  }
0x71: {  	_ =	shalt  }
0x72: {  	_ =	shalt  }
0x73: {  	_ =	shalt  }
0x74: {  	_ =	shalt  }
0x75: {  	_ =	shalt  }
0x76: {  	_ =	shalt  }
0x77: {  	_ =	shalt  }
0x78: {  	_ =	shalt  }
0x79: {  	_ =	shalt  }
0x7a: {  	_ =	shalt  }
0x7b: {  	_ =	shalt  }
0x7c: {  	_ =	shalt  }
0x7d: {  	_ =	shalt  }
0x7e: {  	_ =	shalt  }
0x7f: {  	_ =	shalt  }
0x80: {  	_ =	shalt  }
0x81: {  	_ =	shalt  }
0x82: {  	_ =	shalt  }
0x83: {  	_ =	shalt  }
0x84: {  	_ =	shalt  }
0x85: {  	_ =	shalt  }
0x86: {  	_ =	shalt  }
0x87: {  	_ =	shalt  }
.Lfunc_end0:
.L_simem_size_0:
called_computation.1_lowered:
.L_overlay_start_0:
0x88: {  	s2 =	sld [smem:$0x3FD9]  }
0x89: {  	s3 =	sld [smem:$0x3FFE];
	_ =	sdelay $0x1  }
0x8a: {  	s1 =	srdreg.scid  }
0x8b: {  	s0 =	sand.u32 $0x1, s1  }
0x8c: {  	s14 =	sshll.u32 s0, $0xA;
	s2 =	sadd.s32 s3, s2  }
0x8d: {  	s2 =	sadd.s32 s2, s14  }
0x8e: {  	[smem:$0x3FBC] =	sst s2  }
0x8f: {  	_ = 	snop  }
0x90: {  	s2 =	sld [smem:$0x3FD0];
	_ =	sdelay $0x2  }
0x91: {  	s15 =	simm.s32 $0xA;
	s4 =	simm.s32 $0x10  }
0x92: {  	[smem:s4], [sflag:s15] =	dma.local [hbm:s2], $0x1  }
0x93: {  	_ =	swait.eq [sflag:s15], $0x1  }
0x94: {  	s16 =	sld [smem:$0x10];
	[sflag:s15] =	ssyncset.done $0x0  }
0x95: {  	s17 =	sld [smem:$0x11];
	[sflag:s15] =	ssyncadd.s32 $0xFFFFFFFF  }
0x96: {  	s18 =	sld [smem:$0x12];
	(tm) =	ssettm $0x1  }
0x97: {  	s5 =	sld [smem:$0x3FFB];
	_ =	sdelay $0x3  }
0x98: {  	_ =	strace s5  }
0x99: {  	s5 =	sld [smem:$0x3FFC];
	_ =	sdelay $0x3  }
0x9a: {  	_ =	strace s5  }
0x9b: {  	s5 =	sld [smem:$0x3FFD];
	_ =	sdelay $0x3  }
0x9c: {  	_ =	strace s5  }
0x9d: {  	_ =	strace $0x8FFFFFFF  }
0x9e: {  	s19 =	sld [smem:$0x3FDB];
	_ =	sdelay $0x1  }
0x9f: {  	s6 =	simm.s32 $_scs_section_size  }
0xa0: {  	s7 =	simm.s32 $_size__tile_overlayer_lowered;
	s8 =	simm.s32 $_tile_overlayer_lowered  }
0xa1: {  	s22 =	simm.s32 $0x1BFF;
	s21 =	sshll.u32 s8, $0x1;
	s5 =	sadd.s32 s6, s19  }
0xa2: {  	s9 =	simm.s32 $0x0;
	s20 =	sshll.u32 s7, $0x1;
	s7 =	sadd.s32 s21, s5  }
0xa3: {  	[timem:s9], [sflag:s22] =	dma.local [hbm:s7], s20  }
0xa4: {  	_ =	swait.ge [sflag:s22], s20  }
0xa5: {  	s6 =	ssub.s32 $0x0, s20;
	[sflag:s22] =	ssyncset.done $0x0  }
0xa6: {  	[sflag:s22] =	ssyncadd.s32 s6;
	_ =	sdelay $0x1  }
0xa7: {  	s23 =	simm.s32 $0x1B8B  }
0xa8: {  	_ =	swait.ge [sflag:s23], $0x1  }
0xa9: {  	[sflag:s23] =	ssyncset.done $0x0  }
0xaa: {  	s25 =	simm.s32 $0x1B8E;
	s24 =	sld [smem:$0x3FFE];
	[sflag:s23] =	ssyncadd.s32 $0xFFFFFFFF  }
0xab: {  	s26 =	simm.s32 $execute0_lowered;
	[smem:$0x3FD2] =	sst s25  }
0xac: {  	s7 =	sshll.u32 s26, $0x1;
	_ =	strace $0x80000049;
	[dreg:$0x1] =	wrdreg $0xFFFFFFFF  }
0xad: {  	s28 =	simm.s32 $_size_execute0_lowered;
	s5 =	sadd.s32 s5, s7;
	[dreg:$0x0] =	wrdreg $0x0  }
0xae: {  	s7 =	sshll.u32 s28, $0x1;
	[dreg:$0x2] =	wrdreg s5  }
0xaf: {  	[dreg:$0x3] =	wrdreg s7  }
0xb0: {  	[dreg:$0x4] =	wrdreg $0xC0  }
0xb1: {  	_ =	task [dreg:s9], $0x5FFFF  }
0xb2: {  	[dreg:$0x1] =	wrdreg $0xFFFFFFFF  }
0xb3: {  	[dreg:$0x0] =	wrdreg $0x60  }
0xb4: {  	[dreg:$0x2] =	wrdreg s18  }
0xb5: {  	[dreg:$0x3] =	wrdreg s16  }
0xb6: {  	[dreg:$0x4] =	wrdreg s17  }
0xb7: {  	[dreg:$0x5] =	wrdreg s24  }
0xb8: {  	[dreg:$0x6] =	wrdreg $0x90000  }
0xb9: {  	[dreg:$0x7] =	wrdreg $0x9  }
0xba: {  	_ =	task.clear_ibuf [dreg:s9], $0x8FFFF;
	_ =	strace $0x90000049  }
0xbb: {  	s29 =	simm.s32 $0x9;
	_ =	strace $0x8000004B  }
0xbc: {  	_ =	swait.ge [sflag:s29], $0x1  }
0xbd: {  	[sflag:s29] =	ssyncadd.s32 $0xFFFFFFFF  }
0xbe: {  	_ =	strace $0x9000004B  }
0xbf: {  	_ =	sfence  }
0xc0: {  	s30 =	sld [smem:$0x0];
	_ =	sdelay $0x2  }
0xc1: {  	s31 =	sshll.u32 s1, $0xD;
	s1 =	sshrl.u32 s1, $0x2  }
0xc2: {  	s3 =	sand.u32 $0x4000, s31;
	s1 =	sadd.s32 s1, s30  }
0xc3: {  	s0 =	sor.u32 s3, s0;
	s1 =	sshll.u32 s1, $0x11  }
0xc4: {  	s0 =	sor.u32 s1, s0  }
0xc5: {  	s0 =	sadd.s32 $0x8F2B, s0  }
0xc6: {  	[sflag:s0] =	ssyncadd.remote.s32 $0x1  }
0xc7: {  	_ =	sfence.sel $0xFFFF  }
0xc8: {  	[dreg:$0x0] =	wrdreg $0xFFFFFFFF;
	(pc) =	sbr.abs _section_cstart, $3  }
0xc9: {  	[dreg:$0x1] =	wrdreg $0xFFFFFFFF  }
0xca: {  	_ =	task.clear_ibuf [dreg:s9], $0x2FFFF;
	_ =	strace $0x9FFFFFFF  }
0xcb: {  	(tm) =	ssettm $0x7FFFFFFF  }
tec
execute0_lowered:
.L_overlay_start_1:
0x0: {  	(tag) =	ssettag $0x1  }
0x1: {  	s0 =	rddreg [dreg:$0x0]  }
0x2: {  	s10 =	rddreg [dreg:$0x1]  }
0x3: {  	s11 =	rddreg [dreg:$0x2]  }
0x4: {  	s7 =	rddreg [dreg:$0x3]  }
0x5: {  	s1 =	srdreg.scid;
	s3 =	rddreg [dreg:$0x4]  }
0x6: {  	s2 =	rddreg [dreg:$0x5];
	s4 =	simm.s32 $0x0;
	s5 =	sand.u32 $0x1, s1  }
0x7: {  	s15 =	simm.s32 $0x2;
	s1 =	stileid.u32;
	s6 =	smul.u32 $0x13C000, s5  }
0x8: {  	s16 =	simm.s32 $0x2800;
	s17 =	simm.s32 $0x80;
	s8 =	smul.u32 $0x13C00, s1  }
0x9: {  	s18 =	simm.s32 $0x1;
	[smem:$0x7FF] =	sst s4;
	s29 =	smul.u32 $0x4F000, s1  }
0xa: {  	_ =	strace $0x8000004A;
	s30 =	ssub.s32 $0x2, s5;
	s31 =	sshll.u32 s1, $0x1  }
0xb: {  	s19 =	sshll.u32 s1, $0x6;
	s9 =	sshrl.u32 s30, $0x1;
	s6 =	sadd.s32 s8, s6  }
0xc: {  	s8 =	sshrl.u32 s29, $0x2;
	s13 =	ssub.s32 s30, s9;
	s6 =	sshrl.u32 s6, $0x3  }
0xd: {  	s12 =	sadd.s32 s6, s7;
	s7 =	sor.u32 s5, s31;
	s5 =	sadd.s32 s8, s3  }
0xe: {  	s19 =	sor.u32 $0x1C02, s19;
	s13 =	smax.u32 s13, $0x1;
	s6 =	sadd.s32 $0x4000, s5  }
0xf: {  	s14 =	smul.u32 $0x500, s7;
	s7 =	sadd.s32 $0x8000, s5;
	s8 =	sadd.s32 $0xC000, s5  }
0x10: {  	s9 =	sadd.s32 $0x10000, s5;
	s12 =	sadd.s32 $0x3E00, s12;
	s20 =	sshrl.u32 s5, $0x3  }
0x11: {  	v0 =	vimm.f32 $0.0e+00;
	s10 =	sadd.s32 s10, s14;
	s11 =	sadd.s32 s11, s14;
	s14 =	simm.s32 $0x5000  }
.LBB2_1:
0x12: {  	s21 =	simm.s32 $0x0;
	s22 =	simm.s32 $0x200  }
.LBB2_2:
0x13: {  	p0 =	sne.s32 s22, $0xFE00;
	[tilespmem:s21+$0x5070] =	vst v0  }
0x14: {  	[tilespmem:s21+$0x5000] =	vst v0  }
0x15: {  	[tilespmem:s21+$0x5010] =	vst v0  }
.Ltmp0:
0x16: {  	[tilespmem:s21+$0x5020] =	vst v0;
	(pc) =	sbr.rel @p0 .LBB2_2-.Ltmp0, $4  }
0x17: {  	[tilespmem:s21+$0x5030] =	vst v0  }
0x18: {  	[tilespmem:s21+$0x5040] =	vst v0  }
0x19: {  	[tilespmem:s21+$0x5050] =	vst v0  }
0x1a: {  	[tilespmem:s21+$0x5060] =	vst v0;
	s21 =	sshra.s32 s22, $0x2;
	s22 =	sadd.s32 $0x200, s22  }
0x1b: {  	[tilespmem:s21+$0x5070] =	vst v0  }
0x1c: {  	[tilespmem:s21+$0x5000] =	vst v0  }
0x1d: {  	[tilespmem:s21+$0x5010] =	vst v0  }
0x1e: {  	[tilespmem:s21+$0x5020] =	vst v0  }
0x1f: {  	[tilespmem:s21+$0x5030] =	vst v0  }
0x20: {  	[tilespmem:s21+$0x5040] =	vst v0  }
0x21: {  	[tilespmem:s21+$0x5050] =	vst v0  }
0x22: {  	[tilespmem:s21+$0x5060] =	vst v0  }
0x23: {  	[spmem:s5] =	stream.linear.scatter [tilespmem:s14], [sflag:$0x2], $0x4000, $0x38;
	[tilespmem:$0x1CC00] =	vst v63  }
0x24: {  	_ =	swait.ge [sflag:s15], $0x4000  }
0x25: {  	[sflag:s15] =	ssyncset.done $0x0  }
0x26: {  	[sflag:s15] =	ssyncadd.s32 $0xFFFFC000  }
0x27: {  	[spmem:s6] =	stream.linear.scatter [tilespmem:s14], [sflag:$0x2], $0x4000, $0x38;
	[tilespmem:$0x1CC00] =	vst v63  }
0x28: {  	_ =	swait.ge [sflag:s15], $0x4000  }
0x29: {  	[sflag:s15] =	ssyncset.done $0x0  }
0x2a: {  	[sflag:s15] =	ssyncadd.s32 $0xFFFFC000  }
0x2b: {  	[spmem:s7] =	stream.linear.scatter [tilespmem:s14], [sflag:$0x2], $0x4000, $0x38;
	[tilespmem:$0x1CC00] =	vst v63  }
0x2c: {  	_ =	swait.ge [sflag:s15], $0x4000  }
0x2d: {  	[sflag:s15] =	ssyncset.done $0x0  }
0x2e: {  	[sflag:s15] =	ssyncadd.s32 $0xFFFFC000  }
0x2f: {  	[spmem:s8] =	stream.linear.scatter [tilespmem:s14], [sflag:$0x2], $0x4000, $0x38;
	[tilespmem:$0x1CC00] =	vst v63  }
0x30: {  	_ =	swait.ge [sflag:s15], $0x4000  }
0x31: {  	[sflag:s15] =	ssyncset.done $0x0  }
0x32: {  	[sflag:s15] =	ssyncadd.s32 $0xFFFFC000  }
0x33: {  	[spmem:s9] =	stream.linear.scatter [tilespmem:s14], [sflag:$0x2], $0x3C00, $0x38;
	[tilespmem:$0x1CC00] =	vst v63  }
0x34: {  	_ =	swait.ge [sflag:s15], $0x3C00  }
0x35: {  	[sflag:s15] =	ssyncset.done $0x0  }
0x36: {  	[sflag:s15] =	ssyncadd.s32 $0xFFFFC400  }
0x37: {  	s29 =	simm.s32 $0x0;
	[bflag:$0x0] =	sbarrier.arrive $0xFFFF  }
0x38: {  	[tilespmem:s29], [sflag:$0x2] =	stream.linear.gather [hbm4b:s10+s29], $0x2800, $0x38;
	[tilespmem:$0x1CC00] =	vst v63  }
0x39: {  	_ =	swait.ge [sflag:s15], $0x2800  }
0x3a: {  	[sflag:s15] =	ssyncset.done $0x0  }
0x3b: {  	[sflag:s15] =	ssyncadd.s32 $0xFFFFD800  }
0x3c: {  	[tilespmem:s16], [sflag:$0x2] =	stream.linear.gather [hbm4b:s11+s29], $0x2800, $0x38;
	[tilespmem:$0x1CC00] =	vst v63  }
0x3d: {  	_ =	swait.ge [sflag:s15], $0x2800  }
0x3e: {  	[sflag:s15] =	ssyncset.done $0x0  }
0x3f: {  	s30 =	simm.s32 $0x0;
	[sflag:s15] =	ssyncadd.s32 $0xFFFFD800  }
0x40: {  	[tilespmem:s14], [sflag:$0x1] =	stream.indirect.gather [hbm4b:s0+s17], $0x80, s30, s17, $0xb8;
	[tilespmem:$0x1CC00] =	vst v63  }
0x41: {  	_ =	swait.ge [sflag:s18], $0x4000  }
0x42: {  	[sflag:s18] =	ssyncset.done $0x0  }
0x43: {  	s31 =	simm.s32 $0x2800;
	[sflag:s18] =	ssyncadd.s32 $0xFFFFC000  }
0x44: {  	[spmem:s3] =	stream.indirect.scatter.add.f32 [tilespmem:s14], [sflag:$0x2], $0x80, s31, s17, $0xb8;
	[tilespmem:$0x1CC00] =	vst v63  }
0x45: {  	_ =	swait.ge [sflag:s15], $0x4000  }
0x46: {  	s21 =	simm.s32 $0x200;
	s22 =	simm.s32 $0x400;
	[sflag:s15] =	ssyncset.done $0x0  }
.LBB2_4:
0x47: {  	s23 =	sshra.s32 s21, $0x2  }
0x48: {  	[sflag:s15] =	ssyncadd.s32 $0xFFFFC000;
	s21 =	smov.u32 s22;
	s24 =	sadd.s32 $0x200, s22  }
0x49: {  	[tilespmem:s14], [sflag:$0x1] =	stream.indirect.gather [hbm4b:s0+s17], $0x80, s23, s17, $0xb8;
	[tilespmem:$0x1CC00] =	vst v63  }
0x4a: {  	p0 =	sne.s32 s22, $0x9E00;
	_ =	swait.ge [sflag:s18], $0x4000  }
.Ltmp1:
0x4b: {  	[sflag:s18] =	ssyncset.done $0x0;
	(pc) =	sbr.rel @p0 .LBB2_4-.Ltmp1, $4  }
0x4c: {  	s22 =	sadd.s32 $0x2800, s23;
	[sflag:s18] =	ssyncadd.s32 $0xFFFFC000  }
0x4d: {  	[spmem:s3] =	stream.indirect.scatter.add.f32 [tilespmem:s14], [sflag:$0x2], $0x80, s22, s17, $0xb8;
	[tilespmem:$0x1CC00] =	vst v63  }
0x4e: {  	_ =	swait.ge [sflag:s15], $0x4000  }
0x4f: {  	s22 =	smov.u32 s24;
	[sflag:s15] =	ssyncset.done $0x0  }
0x50: {  	s21 =	sshra.s32 s21, $0x2;
	[sflag:s15] =	ssyncadd.s32 $0xFFFFC000  }
0x51: {  	[tilespmem:s14], [sflag:$0x1] =	stream.indirect.gather [hbm4b:s0+s17], $0x80, s21, s17, $0xb8;
	[tilespmem:$0x1CC00] =	vst v63  }
0x52: {  	_ =	swait.ge [sflag:s18], $0x4000  }
0x53: {  	[sflag:s18] =	ssyncset.done $0x0  }
0x54: {  	s21 =	sadd.s32 $0x2800, s21;
	[sflag:s18] =	ssyncadd.s32 $0xFFFFC000  }
0x55: {  	[spmem:s3] =	stream.indirect.scatter.add.f32 [tilespmem:s14], [sflag:$0x2], $0x80, s21, s17, $0xb8;
	[tilespmem:$0x1CC00] =	vst v63  }
0x56: {  	_ =	swait.ge [sflag:s15], $0x4000  }
0x57: {  	s4 =	sadd.s32 $0x1, s4;
	[sflag:s15] =	ssyncset.done $0x0  }
0x58: {  	p0 =	sne.s32 s4, s13;
	[sflag:s15] =	ssyncadd.s32 $0xFFFFC000  }
.Ltmp2:
0x59: {  	[bflag:$0x0] =	sbarrier.arrive $0xFFFF;
	(pc) =	sbr.rel @p0 .LBB2_1-.Ltmp2, $4  }
0x5a: {  	[hbm:s12], [sflag:s19] =	dma.local [spmem:s20], $0x2780  }
0x5b: {  	_ =	swait.ge [sflag:s15], $0x2780  }
0x5c: {  	[sflag:s15] =	ssyncset.done $0x0  }
0x5d: {  	[sflag:s15] =	ssyncadd.s32 $0xFFFFD880  }
0x5e: {  	_ =	sfence.sel $0x180000  }
0x5f: {  	[bflag:$0x0] =	sbarrier.arrive $0xFFFF  }
0x60: {  	p0 =	sne.s32 s1, $0x0;
	_ =	strace $0x9000004A  }
0x61: {  	s0 =	sadd.s32 @!p0 $0x100000, s2;
	[bflag:$0x2] =	sbarrier.arrive $0xFFFF  }
0x62: {  	[sflag:s0] =	ssyncadd.tile.s32 @!p0 $0x1;
	_ =	shalt  }
.Lfunc_end2:
_tile_overlayer_lowered:
.L_overlay_start_2:
0x63: {  	(tag) =	ssettag $0x2  }
0x64: {  	s0 =	rddreg [dreg:$0x0];
	s2 =	stileid.u32  }
0x65: {  	s1 =	rddreg [dreg:$0x1];
	p0 =	sne.s32 s2, $0x0  }
0x66: {  	s3 =	rddreg [dreg:$0x2];
	[bflag:$0x3] =	sbarrier.arrive $0xFFFF;
	s2 =	simm.s32 @!p0 $0x1C02  }
0x67: {  	[timem:s3], [sflag:s2] =	dma.local @!p0 [hbm:s0], s1  }
0x68: {  	s0 =	simm.s32 @!p0 $0x2  }
0x69: {  	_ =	swait.ge @!p0 [sflag:s0], s1  }
0x6a: {  	s1 =	ssub.s32 @!p0 $0x0, s1;
	[sflag:s0] =	ssyncset.done @!p0 $0x0  }
0x6b: {  	[sflag:s0] =	ssyncadd.s32 @!p0 s1  }
0x6c: {  	[bflag:$0x3] =	sbarrier.arrive $0xFFFF  }
0x6d: {  	_ =	shalt  }

// kernel: kernel.16.cloned.1.call-start
scs
__scs_entry_jumppad:
0x0: {  	(pc) =	sbr.rel $0x88, $3  }
0x1: {  	(tag) =	ssettag $0x0;
	lr =	simm.s32 $0x1  }
0x2: {  	[smem:$0x3F95] =	sst lr;
	_ =	strace $0xD0000000  }
0x3: {  	_ = 	snop  }
0x4: {  	_ = 	snop  }
0x5: {  	_ = 	snop  }
0x6: {  	_ = 	snop  }
0x7: {  	_ = 	snop  }
__scs_overlays_trampoline_lowered:
0x8: {  	[smem:$0x3FA4] =	sst s0  }
0x9: {  	[smem:$0x3FA5] =	sst s1  }
0xa: {  	[smem:$0x3FA6] =	sst s2  }
0xb: {  	[smem:$0x3FA7] =	sst s3  }
0xc: {  	[smem:$0x3FA8] =	sst s4  }
0xd: {  	[smem:$0x3FA9] =	sst s5  }
0xe: {  	[smem:$0x3FAA] =	sst s6  }
0xf: {  	[smem:$0x3FAB] =	sst s7  }
0x10: {  	[smem:$0x3FAC] =	sst s8  }
0x11: {  	[smem:$0x3FAD] =	sst s9;
	s0 =	simm.s32 @!p0 $0x0  }
0x12: {  	s1 =	sld [smem:$0x3F93];
	s0 =	simm.s32 @p0 $0x1  }
0x13: {  	[smem:$0x3FAE] =	sst s0;
	s0 =	simm.s32 @!p1 $0x0  }
0x14: {  	s2 =	sld [smem:$0x3F92];
	s0 =	simm.s32 @p1 $0x1  }
0x15: {  	[smem:$0x3FAF] =	sst s0;
	s0 =	simm.s32 @!p2 $0x0  }
0x16: {  	s3 =	sld [smem:$0x3FDB];
	s0 =	simm.s32 @p2 $0x1  }
0x17: {  	s4 =	simm.s32 $0x1BF5;
	[smem:$0x3FB1] =	sst s0  }
0x18: {  	s0 =	sld [smem:$0x3F94];
	_ =	swait.ge [sflag:s4], $0x0  }
0x19: {  	s7 =	sld [smem:$0x3F95]  }
0x1a: {  	s8 =	sadd.s32 $0xFFFFE003, lr  }
0x1b: {  	s9 =	sadd.s32 $0xFFFFFEF7, lr;
	s5 =	simm.s32 $0xFFFFFFFF;
	p2 =	slt.u32 s8, $0xFFFFF086  }
0x1c: {  	p1 =	slt.u32 s9, $0xF7A;
	s5 =	simm.s32 @!p2 $0x0  }
0x1d: {  	s5 =	simm.s32 @p1 $0x1;
	p0 =	seq.s32 s7, s2  }
0x1e: {  	s7 =	smul.u32 @!p0 $0xF7A, s2;
	p2 =	seq.s32 @!p0 s5, $0x0  }
0x1f: {  	s9 =	smul.u32 $0xF7A, s1;
	s8 =	simm.s32 @!p0 $0x1BF5;
	p2 =	por !p2, p0  }
0x20: {  	[sflag:s8] =	ssyncset.s32 @!p0 $0xFFFFF086;
	s6 =	sadd.s32 @!p0 s3, s7;
	s7 =	simm.s32 @!p0 $0x108  }
0x21: {  	s3 =	sadd.s32 s3, s9;
	s6 =	sadd.s32 @!p0 $0x88, s6;
	s7 =	simm.s32 @p2 $0x1082  }
0x22: {  	[simem:s7], [sflag:s8] =	dma.local @!p0 [hbm:s6], $0xF7A  }
0x23: {  	s9 =	sor.u32 $0xD0000000, s2;
	s6 =	simm.s32 $0x108;
	_ =	swait.ge @!p0 [sflag:s8], $0x0  }
0x24: {  	s3 =	sadd.s32 $0x88, s3;
	s6 =	simm.s32 @!p1 $0x1082;
	[sflag:s4] =	ssyncset.s32 $0xFFFFF086  }
0x25: {  	[simem:s6], [sflag:s4] =	dma.local [hbm:s3], $0xF7A  }
0x26: {  	[smem:$0x3F95] =	sst s1;
	(tag) =	ssettag s2;
	_ =	strace s9  }
0x27: {  	s1 =	sld [smem:$0x3FA5]  }
0x28: {  	s2 =	sld [smem:$0x3FA6]  }
0x29: {  	s4 =	sld [smem:$0x3FA8]  }
0x2a: {  	p0 =	seq.s32 s5, $0x0;
	s5 =	sld [smem:$0x3FA9]  }
0x2b: {  	s6 =	sld [smem:$0x3FAA]  }
0x2c: {  	s7 =	sld [smem:$0x3FAB]  }
0x2d: {  	s3 =	simm.s32 $0x108;
	s8 =	sld [smem:$0x3FAC]  }
0x2e: {  	s3 =	simm.s32 @!p0 $0x1082;
	s9 =	sld [smem:$0x3FAD]  }
0x2f: {  	lr =	sadd.s32 s0, s3;
	s0 =	sld [smem:$0x3FA4]  }
0x30: {  	s3 =	sld [smem:$0x3FA7]  }
0x31: {  	[smem:$0x3FB0] =	sst s10  }
0x32: {  	s10 =	sld [smem:$0x3FAE];
	_ =	sdelay $0x3  }
0x33: {  	p0 =	seq.s32 s10, $0x1;
	s10 =	sld [smem:$0x3FB0];
	_ =	sdelay $0x3  }
0x34: {  	[smem:$0x3FB0] =	sst s10  }
0x35: {  	s10 =	sld [smem:$0x3FAF];
	_ =	sdelay $0x3  }
0x36: {  	p1 =	seq.s32 s10, $0x1;
	s10 =	sld [smem:$0x3FB0];
	_ =	sdelay $0x3  }
0x37: {  	[smem:$0x3FB0] =	sst s10  }
0x38: {  	s10 =	sld [smem:$0x3FB1]  }
0x39: {  	_ = 	snop;
	(pc) =	sbr.ind lr, $3  }
0x3a: {  	_ = 	snop  }
0x3b: {  	_ = 	snop  }
0x3c: {  	p2 =	seq.s32 s10, $0x1;
	s10 =	sld [smem:$0x3FB0]  }
0x3d: {  	_ =	shalt  }
0x3e: {  	_ =	shalt  }
0x3f: {  	_ =	shalt  }
0x40: {  	_ =	shalt  }
0x41: {  	_ =	shalt  }
0x42: {  	_ =	shalt  }
0x43: {  	_ =	shalt  }
0x44: {  	_ =	shalt  }
0x45: {  	_ =	shalt  }
0x46: {  	_ =	shalt  }
0x47: {  	_ =	shalt  }
0x48: {  	_ =	shalt  }
0x49: {  	_ =	shalt  }
0x4a: {  	_ =	shalt  }
0x4b: {  	_ =	shalt  }
0x4c: {  	_ =	shalt  }
0x4d: {  	_ =	shalt  }
0x4e: {  	_ =	shalt  }
0x4f: {  	_ =	shalt  }
0x50: {  	_ =	shalt  }
0x51: {  	_ =	shalt  }
0x52: {  	_ =	shalt  }
0x53: {  	_ =	shalt  }
0x54: {  	_ =	shalt  }
0x55: {  	_ =	shalt  }
0x56: {  	_ =	shalt  }
0x57: {  	_ =	shalt  }
0x58: {  	_ =	shalt  }
0x59: {  	_ =	shalt  }
0x5a: {  	_ =	shalt  }
0x5b: {  	_ =	shalt  }
0x5c: {  	_ =	shalt  }
0x5d: {  	_ =	shalt  }
0x5e: {  	_ =	shalt  }
0x5f: {  	_ =	shalt  }
0x60: {  	_ =	shalt  }
0x61: {  	_ =	shalt  }
0x62: {  	_ =	shalt  }
0x63: {  	_ =	shalt  }
0x64: {  	_ =	shalt  }
0x65: {  	_ =	shalt  }
0x66: {  	_ =	shalt  }
0x67: {  	_ =	shalt  }
0x68: {  	_ =	shalt  }
0x69: {  	_ =	shalt  }
0x6a: {  	_ =	shalt  }
0x6b: {  	_ =	shalt  }
0x6c: {  	_ =	shalt  }
0x6d: {  	_ =	shalt  }
0x6e: {  	_ =	shalt  }
0x6f: {  	_ =	shalt  }
0x70: {  	_ =	shalt  }
0x71: {  	_ =	shalt  }
0x72: {  	_ =	shalt  }
0x73: {  	_ =	shalt  }
0x74: {  	_ =	shalt  }
0x75: {  	_ =	shalt  }
0x76: {  	_ =	shalt  }
0x77: {  	_ =	shalt  }
0x78: {  	_ =	shalt  }
0x79: {  	_ =	shalt  }
0x7a: {  	_ =	shalt  }
0x7b: {  	_ =	shalt  }
0x7c: {  	_ =	shalt  }
0x7d: {  	_ =	shalt  }
0x7e: {  	_ =	shalt  }
0x7f: {  	_ =	shalt  }
0x80: {  	_ =	shalt  }
0x81: {  	_ =	shalt  }
0x82: {  	_ =	shalt  }
0x83: {  	_ =	shalt  }
0x84: {  	_ =	shalt  }
0x85: {  	_ =	shalt  }
0x86: {  	_ =	shalt  }
0x87: {  	_ =	shalt  }
.Lfunc_end0:
.L_simem_size_0:
called_computation.2_lowered:
.L_overlay_start_0:
0x88: {  	s2 =	sld [smem:$0x3FD9]  }
0x89: {  	s3 =	sld [smem:$0x3FFE];
	_ =	sdelay $0x1  }
0x8a: {  	s1 =	srdreg.scid  }
0x8b: {  	s0 =	sand.u32 $0x1, s1  }
0x8c: {  	s14 =	sshll.u32 s0, $0xA;
	s2 =	sadd.s32 s3, s2  }
0x8d: {  	s2 =	sadd.s32 s2, s14  }
0x8e: {  	[smem:$0x3FBC] =	sst s2  }
0x8f: {  	_ = 	snop  }
0x90: {  	s2 =	sld [smem:$0x3FD0];
	_ =	sdelay $0x2  }
0x91: {  	s15 =	simm.s32 $0xA;
	s4 =	simm.s32 $0x10  }
0x92: {  	[smem:s4], [sflag:s15] =	dma.local [hbm:s2], $0x1  }
0x93: {  	_ =	swait.eq [sflag:s15], $0x1  }
0x94: {  	s16 =	sld [smem:$0x10];
	[sflag:s15] =	ssyncset.done $0x0  }
0x95: {  	s17 =	sld [smem:$0x11];
	[sflag:s15] =	ssyncadd.s32 $0xFFFFFFFF  }
0x96: {  	s18 =	sld [smem:$0x12];
	(tm) =	ssettm $0x1  }
0x97: {  	s5 =	sld [smem:$0x3FFB];
	_ =	sdelay $0x3  }
0x98: {  	_ =	strace s5  }
0x99: {  	s5 =	sld [smem:$0x3FFC];
	_ =	sdelay $0x3  }
0x9a: {  	_ =	strace s5  }
0x9b: {  	s5 =	sld [smem:$0x3FFD];
	_ =	sdelay $0x3  }
0x9c: {  	_ =	strace s5  }
0x9d: {  	_ =	strace $0x8FFFFFFF  }
0x9e: {  	s19 =	sld [smem:$0x3FDB];
	_ =	sdelay $0x1  }
0x9f: {  	s6 =	simm.s32 $_scs_section_size  }
0xa0: {  	s7 =	simm.s32 $_size__tile_overlayer_lowered;
	s8 =	simm.s32 $_tile_overlayer_lowered  }
0xa1: {  	s22 =	simm.s32 $0x1BFF;
	s21 =	sshll.u32 s8, $0x1;
	s5 =	sadd.s32 s6, s19  }
0xa2: {  	s9 =	simm.s32 $0x0;
	s20 =	sshll.u32 s7, $0x1;
	s7 =	sadd.s32 s21, s5  }
0xa3: {  	[timem:s9], [sflag:s22] =	dma.local [hbm:s7], s20  }
0xa4: {  	_ =	swait.ge [sflag:s22], s20  }
0xa5: {  	s6 =	ssub.s32 $0x0, s20;
	[sflag:s22] =	ssyncset.done $0x0  }
0xa6: {  	[sflag:s22] =	ssyncadd.s32 s6;
	_ =	sdelay $0x1  }
0xa7: {  	s23 =	simm.s32 $0x1B8B  }
0xa8: {  	_ =	swait.ge [sflag:s23], $0x1  }
0xa9: {  	[sflag:s23] =	ssyncset.done $0x0  }
0xaa: {  	s25 =	simm.s32 $0x1B8E;
	s24 =	sld [smem:$0x3FFE];
	[sflag:s23] =	ssyncadd.s32 $0xFFFFFFFF  }
0xab: {  	s26 =	simm.s32 $execute0_lowered;
	[smem:$0x3FD2] =	sst s25  }
0xac: {  	s7 =	sshll.u32 s26, $0x1;
	_ =	strace $0x8000004C;
	[dreg:$0x1] =	wrdreg $0xFFFFFFFF  }
0xad: {  	s28 =	simm.s32 $_size_execute0_lowered;
	s5 =	sadd.s32 s5, s7;
	[dreg:$0x0] =	wrdreg $0x0  }
0xae: {  	s7 =	sshll.u32 s28, $0x1;
	[dreg:$0x2] =	wrdreg s5  }
0xaf: {  	[dreg:$0x3] =	wrdreg s7  }
0xb0: {  	[dreg:$0x4] =	wrdreg $0xC0  }
0xb1: {  	_ =	task [dreg:s9], $0x5FFFF  }
0xb2: {  	[dreg:$0x1] =	wrdreg $0xFFFFFFFF  }
0xb3: {  	[dreg:$0x0] =	wrdreg $0x60  }
0xb4: {  	[dreg:$0x2] =	wrdreg s18  }
0xb5: {  	[dreg:$0x3] =	wrdreg s16  }
0xb6: {  	[dreg:$0x4] =	wrdreg s17  }
0xb7: {  	[dreg:$0x5] =	wrdreg s24  }
0xb8: {  	[dreg:$0x6] =	wrdreg $0x90000  }
0xb9: {  	[dreg:$0x7] =	wrdreg $0x9  }
0xba: {  	_ =	task.clear_ibuf [dreg:s9], $0x8FFFF;
	_ =	strace $0x9000004C  }
0xbb: {  	s29 =	simm.s32 $0x9;
	_ =	strace $0x8000004E  }
0xbc: {  	_ =	swait.ge [sflag:s29], $0x1  }
0xbd: {  	[sflag:s29] =	ssyncadd.s32 $0xFFFFFFFF  }
0xbe: {  	_ =	strace $0x9000004E  }
0xbf: {  	_ =	sfence  }
0xc0: {  	s30 =	sld [smem:$0x0];
	_ =	sdelay $0x2  }
0xc1: {  	s31 =	sshll.u32 s1, $0xD;
	s1 =	sshrl.u32 s1, $0x2  }
0xc2: {  	s3 =	sand.u32 $0x4000, s31;
	s1 =	sadd.s32 s1, s30  }
0xc3: {  	s0 =	sor.u32 s3, s0;
	s1 =	sshll.u32 s1, $0x11  }
0xc4: {  	s0 =	sor.u32 s1, s0  }
0xc5: {  	s0 =	sadd.s32 $0x8F2B, s0  }
0xc6: {  	[sflag:s0] =	ssyncadd.remote.s32 $0x1  }
0xc7: {  	_ =	sfence.sel $0xFFFF  }
0xc8: {  	[dreg:$0x0] =	wrdreg $0xFFFFFFFF;
	(pc) =	sbr.abs _section_cstart, $3  }
0xc9: {  	[dreg:$0x1] =	wrdreg $0xFFFFFFFF  }
0xca: {  	_ =	task.clear_ibuf [dreg:s9], $0x2FFFF;
	_ =	strace $0x9FFFFFFF  }
0xcb: {  	(tm) =	ssettm $0x7FFFFFFF  }
tec
execute0_lowered:
.L_overlay_start_1:
0x0: {  	(tag) =	ssettag $0x1  }
0x1: {  	s0 =	rddreg [dreg:$0x0]  }
0x2: {  	s10 =	rddreg [dreg:$0x1]  }
0x3: {  	s11 =	rddreg [dreg:$0x2]  }
0x4: {  	s7 =	rddreg [dreg:$0x3]  }
0x5: {  	s1 =	srdreg.scid;
	s3 =	rddreg [dreg:$0x4]  }
0x6: {  	s2 =	rddreg [dreg:$0x5];
	s4 =	simm.s32 $0x0;
	s5 =	sand.u32 $0x1, s1  }
0x7: {  	s15 =	simm.s32 $0x2;
	s1 =	stileid.u32;
	s6 =	smul.u32 $0x13C000, s5  }
0x8: {  	s16 =	simm.s32 $0x2800;
	s17 =	simm.s32 $0x80;
	s8 =	smul.u32 $0x13C00, s1  }
0x9: {  	s18 =	simm.s32 $0x1;
	[smem:$0x7FF] =	sst s4;
	s29 =	smul.u32 $0x4F000, s1  }
0xa: {  	_ =	strace $0x8000004D;
	s30 =	ssub.s32 $0x2, s5;
	s31 =	sshll.u32 s1, $0x1  }
0xb: {  	s19 =	sshll.u32 s1, $0x6;
	s9 =	sshrl.u32 s30, $0x1;
	s6 =	sadd.s32 s8, s6  }
0xc: {  	s8 =	sshrl.u32 s29, $0x2;
	s13 =	ssub.s32 s30, s9;
	s6 =	sshrl.u32 s6, $0x3  }
0xd: {  	s12 =	sadd.s32 s6, s7;
	s7 =	sor.u32 s5, s31;
	s5 =	sadd.s32 s8, s3  }
0xe: {  	s19 =	sor.u32 $0x1C02, s19;
	s13 =	smax.u32 s13, $0x1;
	s6 =	sadd.s32 $0x4000, s5  }
0xf: {  	s14 =	smul.u32 $0x500, s7;
	s7 =	sadd.s32 $0x8000, s5;
	s8 =	sadd.s32 $0xC000, s5  }
0x10: {  	s9 =	sadd.s32 $0x10000, s5;
	s12 =	sadd.s32 $0x3E00, s12;
	s20 =	sshrl.u32 s5, $0x3  }
0x11: {  	v0 =	vimm.f32 $0.0e+00;
	s10 =	sadd.s32 s10, s14;
	s11 =	sadd.s32 s11, s14;
	s14 =	simm.s32 $0x5000  }
.LBB2_1:
0x12: {  	s21 =	simm.s32 $0x0;
	s22 =	simm.s32 $0x200  }
.LBB2_2:
0x13: {  	p0 =	sne.s32 s22, $0xFE00;
	[tilespmem:s21+$0x5070] =	vst v0  }
0x14: {  	[tilespmem:s21+$0x5000] =	vst v0  }
0x15: {  	[tilespmem:s21+$0x5010] =	vst v0  }
.Ltmp0:
0x16: {  	[tilespmem:s21+$0x5020] =	vst v0;
	(pc) =	sbr.rel @p0 .LBB2_2-.Ltmp0, $4  }
0x17: {  	[tilespmem:s21+$0x5030] =	vst v0  }
0x18: {  	[tilespmem:s21+$0x5040] =	vst v0  }
0x19: {  	[tilespmem:s21+$0x5050] =	vst v0  }
0x1a: {  	[tilespmem:s21+$0x5060] =	vst v0;
	s21 =	sshra.s32 s22, $0x2;
	s22 =	sadd.s32 $0x200, s22  }
0x1b: {  	[tilespmem:s21+$0x5070] =	vst v0  }
0x1c: {  	[tilespmem:s21+$0x5000] =	vst v0  }
0x1d: {  	[tilespmem:s21+$0x5010] =	vst v0  }
0x1e: {  	[tilespmem:s21+$0x5020] =	vst v0  }
0x1f: {  	[tilespmem:s21+$0x5030] =	vst v0  }
0x20: {  	[tilespmem:s21+$0x5040] =	vst v0  }
0x21: {  	[tilespmem:s21+$0x5050] =	vst v0  }
0x22: {  	[tilespmem:s21+$0x5060] =	vst v0  }
0x23: {  	[spmem:s5] =	stream.linear.scatter [tilespmem:s14], [sflag:$0x2], $0x4000, $0x38;
	[tilespmem:$0x1CC00] =	vst v63  }
0x24: {  	_ =	swait.ge [sflag:s15], $0x4000  }
0x25: {  	[sflag:s15] =	ssyncset.done $0x0  }
0x26: {  	[sflag:s15] =	ssyncadd.s32 $0xFFFFC000  }
0x27: {  	[spmem:s6] =	stream.linear.scatter [tilespmem:s14], [sflag:$0x2], $0x4000, $0x38;
	[tilespmem:$0x1CC00] =	vst v63  }
0x28: {  	_ =	swait.ge [sflag:s15], $0x4000  }
0x29: {  	[sflag:s15] =	ssyncset.done $0x0  }
0x2a: {  	[sflag:s15] =	ssyncadd.s32 $0xFFFFC000  }
0x2b: {  	[spmem:s7] =	stream.linear.scatter [tilespmem:s14], [sflag:$0x2], $0x4000, $0x38;
	[tilespmem:$0x1CC00] =	vst v63  }
0x2c: {  	_ =	swait.ge [sflag:s15], $0x4000  }
0x2d: {  	[sflag:s15] =	ssyncset.done $0x0  }
0x2e: {  	[sflag:s15] =	ssyncadd.s32 $0xFFFFC000  }
0x2f: {  	[spmem:s8] =	stream.linear.scatter [tilespmem:s14], [sflag:$0x2], $0x4000, $0x38;
	[tilespmem:$0x1CC00] =	vst v63  }
0x30: {  	_ =	swait.ge [sflag:s15], $0x4000  }
0x31: {  	[sflag:s15] =	ssyncset.done $0x0  }
0x32: {  	[sflag:s15] =	ssyncadd.s32 $0xFFFFC000  }
0x33: {  	[spmem:s9] =	stream.linear.scatter [tilespmem:s14], [sflag:$0x2], $0x3C00, $0x38;
	[tilespmem:$0x1CC00] =	vst v63  }
0x34: {  	_ =	swait.ge [sflag:s15], $0x3C00  }
0x35: {  	[sflag:s15] =	ssyncset.done $0x0  }
0x36: {  	[sflag:s15] =	ssyncadd.s32 $0xFFFFC400  }
0x37: {  	s29 =	simm.s32 $0x0;
	[bflag:$0x0] =	sbarrier.arrive $0xFFFF  }
0x38: {  	[tilespmem:s29], [sflag:$0x2] =	stream.linear.gather [hbm4b:s10+s29], $0x2800, $0x38;
	[tilespmem:$0x1CC00] =	vst v63  }
0x39: {  	_ =	swait.ge [sflag:s15], $0x2800  }
0x3a: {  	[sflag:s15] =	ssyncset.done $0x0  }
0x3b: {  	[sflag:s15] =	ssyncadd.s32 $0xFFFFD800  }
0x3c: {  	[tilespmem:s16], [sflag:$0x2] =	stream.linear.gather [hbm4b:s11+s29], $0x2800, $0x38;
	[tilespmem:$0x1CC00] =	vst v63  }
0x3d: {  	_ =	swait.ge [sflag:s15], $0x2800  }
0x3e: {  	[sflag:s15] =	ssyncset.done $0x0  }
0x3f: {  	s30 =	simm.s32 $0x0;
	[sflag:s15] =	ssyncadd.s32 $0xFFFFD800  }
0x40: {  	[tilespmem:s14], [sflag:$0x1] =	stream.indirect.gather [hbm4b:s0+s17], $0x80, s30, s17, $0xb8;
	[tilespmem:$0x1CC00] =	vst v63  }
0x41: {  	_ =	swait.ge [sflag:s18], $0x4000  }
0x42: {  	[sflag:s18] =	ssyncset.done $0x0  }
0x43: {  	s31 =	simm.s32 $0x2800;
	[sflag:s18] =	ssyncadd.s32 $0xFFFFC000  }
0x44: {  	[spmem:s3] =	stream.indirect.scatter.add.f32 [tilespmem:s14], [sflag:$0x2], $0x80, s31, s17, $0xb8;
	[tilespmem:$0x1CC00] =	vst v63  }
0x45: {  	_ =	swait.ge [sflag:s15], $0x4000  }
0x46: {  	s21 =	simm.s32 $0x200;
	s22 =	simm.s32 $0x400;
	[sflag:s15] =	ssyncset.done $0x0  }
.LBB2_4:
0x47: {  	s23 =	sshra.s32 s21, $0x2  }
0x48: {  	[sflag:s15] =	ssyncadd.s32 $0xFFFFC000;
	s21 =	smov.u32 s22;
	s24 =	sadd.s32 $0x200, s22  }
0x49: {  	[tilespmem:s14], [sflag:$0x1] =	stream.indirect.gather [hbm4b:s0+s17], $0x80, s23, s17, $0xb8;
	[tilespmem:$0x1CC00] =	vst v63  }
0x4a: {  	p0 =	sne.s32 s22, $0x9E00;
	_ =	swait.ge [sflag:s18], $0x4000  }
.Ltmp1:
0x4b: {  	[sflag:s18] =	ssyncset.done $0x0;
	(pc) =	sbr.rel @p0 .LBB2_4-.Ltmp1, $4  }
0x4c: {  	s22 =	sadd.s32 $0x2800, s23;
	[sflag:s18] =	ssyncadd.s32 $0xFFFFC000  }
0x4d: {  	[spmem:s3] =	stream.indirect.scatter.add.f32 [tilespmem:s14], [sflag:$0x2], $0x80, s22, s17, $0xb8;
	[tilespmem:$0x1CC00] =	vst v63  }
0x4e: {  	_ =	swait.ge [sflag:s15], $0x4000  }
0x4f: {  	s22 =	smov.u32 s24;
	[sflag:s15] =	ssyncset.done $0x0  }
0x50: {  	s21 =	sshra.s32 s21, $0x2;
	[sflag:s15] =	ssyncadd.s32 $0xFFFFC000  }
0x51: {  	[tilespmem:s14], [sflag:$0x1] =	stream.indirect.gather [hbm4b:s0+s17], $0x80, s21, s17, $0xb8;
	[tilespmem:$0x1CC00] =	vst v63  }
0x52: {  	_ =	swait.ge [sflag:s18], $0x4000  }
0x53: {  	[sflag:s18] =	ssyncset.done $0x0  }
0x54: {  	s21 =	sadd.s32 $0x2800, s21;
	[sflag:s18] =	ssyncadd.s32 $0xFFFFC000  }
0x55: {  	[spmem:s3] =	stream.indirect.scatter.add.f32 [tilespmem:s14], [sflag:$0x2], $0x80, s21, s17, $0xb8;
	[tilespmem:$0x1CC00] =	vst v63  }
0x56: {  	_ =	swait.ge [sflag:s15], $0x4000  }
0x57: {  	s4 =	sadd.s32 $0x1, s4;
	[sflag:s15] =	ssyncset.done $0x0  }
0x58: {  	p0 =	sne.s32 s4, s13;
	[sflag:s15] =	ssyncadd.s32 $0xFFFFC000  }
.Ltmp2:
0x59: {  	[bflag:$0x0] =	sbarrier.arrive $0xFFFF;
	(pc) =	sbr.rel @p0 .LBB2_1-.Ltmp2, $4  }
0x5a: {  	[hbm:s12], [sflag:s19] =	dma.local [spmem:s20], $0x2780  }
0x5b: {  	_ =	swait.ge [sflag:s15], $0x2780  }
0x5c: {  	[sflag:s15] =	ssyncset.done $0x0  }
0x5d: {  	[sflag:s15] =	ssyncadd.s32 $0xFFFFD880  }
0x5e: {  	_ =	sfence.sel $0x180000  }
0x5f: {  	[bflag:$0x0] =	sbarrier.arrive $0xFFFF  }
0x60: {  	p0 =	sne.s32 s1, $0x0;
	_ =	strace $0x9000004D  }
0x61: {  	s0 =	sadd.s32 @!p0 $0x100000, s2;
	[bflag:$0x2] =	sbarrier.arrive $0xFFFF  }
0x62: {  	[sflag:s0] =	ssyncadd.tile.s32 @!p0 $0x1;
	_ =	shalt  }
.Lfunc_end2:
_tile_overlayer_lowered:
.L_overlay_start_2:
0x63: {  	(tag) =	ssettag $0x2  }
0x64: {  	s0 =	rddreg [dreg:$0x0];
	s2 =	stileid.u32  }
0x65: {  	s1 =	rddreg [dreg:$0x1];
	p0 =	sne.s32 s2, $0x0  }
0x66: {  	s3 =	rddreg [dreg:$0x2];
	[bflag:$0x3] =	sbarrier.arrive $0xFFFF;
	s2 =	simm.s32 @!p0 $0x1C02  }
0x67: {  	[timem:s3], [sflag:s2] =	dma.local @!p0 [hbm:s0], s1  }
0x68: {  	s0 =	simm.s32 @!p0 $0x2  }
0x69: {  	_ =	swait.ge @!p0 [sflag:s0], s1  }
0x6a: {  	s1 =	ssub.s32 @!p0 $0x0, s1;
	[sflag:s0] =	ssyncset.done @!p0 $0x0  }
0x6b: {  	[sflag:s0] =	ssyncadd.s32 @!p0 s1  }
0x6c: {  	[bflag:$0x3] =	sbarrier.arrive $0xFFFF  }
0x6d: {  	_ =	shalt  }

</sc_bundles>
